<compile_context>
chip_gen: v7x
topology: tpu7x:2x2x1
jax: 0.10.2.dev20260603
libtpu: 0.0.44.dev20260713+nightly
codegen_flags: <defaults>
</compile_context>

<pallas_src>
import functools

import jax
import jax.numpy as jnp
from jax import lax
from jax.experimental import pallas as pl
from jax.experimental.pallas import tpu as pltpu
from jax.experimental.pallas import tpu_sc as plsc

D = 128
CHUNK = 200
NBUF = 4


@functools.lru_cache(maxsize=None)
def _make_gather(B, V):
    info = plsc.get_sparse_core_info()
    NC, NS = info.num_cores, info.num_subcores
    NW = NC * NS
    assert B % (NW * CHUNK * NBUF) == 0
    b_per_w = B // NW
    n_chunks = b_per_w // CHUNK
    n_rounds = n_chunks // NBUF
    mesh = plsc.VectorSubcoreMesh(core_axis_name="c", subcore_axis_name="s")

    @functools.partial(
        pl.kernel,
        mesh=mesh,
        out_type=jax.ShapeDtypeStruct((B, D), jnp.float32),
        scratch_types=(
            [pltpu.VMEM((b_per_w,), jnp.int32),
             pltpu.VMEM((NBUF, CHUNK, D), jnp.float32)]
            + [pltpu.SemaphoreType.DMA] * (2 * NBUF)
        ),
    )
    def gather_kernel(idx_hbm, table_hbm, out_hbm, idx_v, rows_v, *sems):
        gsem, wsem = sems[:NBUF], sems[NBUF:]
        wid = lax.axis_index("s") * NC + lax.axis_index("c")
        base = wid * b_per_w
        pltpu.sync_copy(idx_hbm.at[pl.ds(base, b_per_w)], idx_v)

        def start_gather(chunk, b):
            off = pl.multiple_of(chunk * CHUNK, CHUNK)
            pltpu.async_copy(
                table_hbm.at[idx_v.at[pl.ds(off, CHUNK)]], rows_v.at[b],
                gsem[b]
            )

        def start_writeback(chunk, b):
            off = pl.multiple_of(chunk * CHUNK, CHUNK)
            pltpu.async_copy(
                rows_v.at[b], out_hbm.at[pl.ds(base + off, CHUNK)], wsem[b]
            )

        def wait(sem):
            pltpu.make_async_copy(
                out_hbm.at[pl.ds(0, CHUNK)], rows_v.at[0], sem
            ).wait()

        for b in range(NBUF):
            start_gather(b, b)

        def body(g, carry):
            for b in range(NBUF):
                wait(gsem[b])
                start_writeback(g * NBUF + b, b)
            for b in range(NBUF):
                wait(wsem[b])
                start_gather((g + 1) * NBUF + b, b)
            return carry

        lax.fori_loop(0, n_rounds - 1, body, 0)

        g_last = n_rounds - 1
        for b in range(NBUF):
            wait(gsem[b])
            start_writeback(g_last * NBUF + b, b)
        for b in range(NBUF):
            wait(wsem[b])

    return gather_kernel


def kernel(x, embeddings):
    S0, S1 = x.shape
    B = S0 * S1
    idx = x.reshape(B).astype(jnp.int32)
    out = _make_gather(B, embeddings.shape[0])(idx, embeddings)
    return out.reshape(S0, S1, D)

# --- scband reference (transcript-rebuilt; emitter-appended) ---
"""Pipeline reference for scband-embedding-18726057410740 (READ-ONLY COPY).

The authoritative reference and input builder live on the scoring server;
editing this copy changes nothing except your own understanding.
"""

import jax, jax.numpy as jnp
import numpy as np


def _trunc_normal(key, shape, mean=0.0, std=1.0, a=-3.0, b=3.0):
    u = jax.random.truncated_normal(key, lower=(a - mean) / std, upper=(b - mean) / std, shape=shape, dtype=jnp.float32)
    return u * std + mean


def setup_inputs(seed: int = 0) -> dict:
    key = jax.random.key(seed)
    k_idx, k_emb = jax.random.split(key)
    x = jax.random.randint(k_idx, (4096, 200), 0, 100000, dtype=jnp.int64 if jax.config.jax_enable_x64 else jnp.int32)
    embeddings = _trunc_normal(k_emb, (100000, 128))
    return {"x": x, "embeddings": embeddings}


def reference(x, embeddings):
    # equivalent of self.embeddings[x]: gather rows of the table
    return jnp.take(embeddings, x, axis=0)

if __name__ == "__main__":
    import jax
    _d = setup_inputs()
    print(jax.jit(kernel)(*tuple(_d.values())))

</pallas_src>

<mosaic_0001>
#map = affine_map<(d0, d1) -> (0)>
#map1 = affine_map<(d0, d1) -> (0, 0)>
module attributes {stable_mosaic.version = 14 : i64} {
  func.func @gather_kernel(%arg0: i32, %arg1: i32, %arg2: memref<819200xi32, #tpu.memory_space<hbm>>, %arg3: memref<100000x128xf32, #tpu.memory_space<hbm>>, %arg4: memref<819200x128xf32, #tpu.memory_space<hbm>>, %arg5: memref<25600xi32, #tpu.memory_space<vmem>>, %arg6: memref<4x200x128xf32, #tpu.memory_space<vmem>>, %arg7: memref<!tpu.dma_semaphore, #tpu.memory_space<semaphore_mem>>, %arg8: memref<!tpu.dma_semaphore, #tpu.memory_space<semaphore_mem>>, %arg9: memref<!tpu.dma_semaphore, #tpu.memory_space<semaphore_mem>>, %arg10: memref<!tpu.dma_semaphore, #tpu.memory_space<semaphore_mem>>, %arg11: memref<!tpu.dma_semaphore, #tpu.memory_space<semaphore_mem>>, %arg12: memref<!tpu.dma_semaphore, #tpu.memory_space<semaphore_mem>>, %arg13: memref<!tpu.dma_semaphore, #tpu.memory_space<semaphore_mem>>, %arg14: memref<!tpu.dma_semaphore, #tpu.memory_space<semaphore_mem>>) attributes {dimension_semantics = [#tpu.dimension_semantics<core_parallel>, #tpu.dimension_semantics<subcore_parallel>], iteration_bounds = array<i64: 2, 16>, scalar_prefetch = 0 : i64, scratch_operands = 10 : i64, tpu.core_type = #tpu.core_type<sc_vector_subcore>, window_params = [{transform_indices = #map}, {transform_indices = #map1}, {transform_indices = #map1}]} {
    %mul3A = arith.constant 2 : i32
    %mul3A_0 = arith.muli %arg1, %mul3A : i32
    %add3A = arith.addi %mul3A_0, %arg0 : i32
    %mul3A_1 = arith.constant 25600 : i32
    %mul3A_2 = arith.muli %add3A, %mul3A_1 : i32
    "tpu.region"() ({
      %run_scoped3A = tpu.sem_alloc : memref<!tpu.dma_semaphore, #tpu.memory_space<semaphore_mem>>
      %dma_start3A_233 = tpu.memref_slice %arg2[%mul3A_2] : memref<819200xi32, #tpu.memory_space<hbm>> -> memref<25600xi32, #tpu.memory_space<hbm>>
      %dma_start3A_234 = tpu.memref_slice %arg2[%mul3A_2] : memref<819200xi32, #tpu.memory_space<hbm>> -> memref<25600xi32, #tpu.memory_space<hbm>>
      tpu.enqueue_dma source(%dma_start3A_234 : memref<25600xi32, #tpu.memory_space<hbm>>) target(%arg5 : memref<25600xi32, #tpu.memory_space<vmem>>) target_semaphore(%run_scoped3A : memref<!tpu.dma_semaphore, #tpu.memory_space<semaphore_mem>>)
      %dma_wait3A_235 = tpu.memref_slice %arg2[%mul3A_2] : memref<819200xi32, #tpu.memory_space<hbm>> -> memref<25600xi32, #tpu.memory_space<hbm>>
      %dma_wait3A_236 = tpu.memref_slice %arg2[%mul3A_2] : memref<819200xi32, #tpu.memory_space<hbm>> -> memref<25600xi32, #tpu.memory_space<hbm>>
      tpu.wait_dma2 semaphore(%run_scoped3A : memref<!tpu.dma_semaphore, #tpu.memory_space<semaphore_mem>>) src(%dma_wait3A_236 : memref<25600xi32, #tpu.memory_space<hbm>>) dst(%arg5 : memref<25600xi32, #tpu.memory_space<vmem>>)
      tpu.yield
    }) : () -> ()
    %multiple_of3A = arith.constant 0 : i32
    %multiple_of3A_3 = tpu.assume_multiple %multiple_of3A, 200 : i32
    %dma_start3A = arith.constant 0 : i32
    %dma_start3A_4 = arith.constant 0 : i32
    %dma_start3A_5 = arith.constant 0 : i32
    %dma_start3A_6 = tpu.memref_slice %arg6[%dma_start3A, %dma_start3A_4, %dma_start3A_5] : memref<4x200x128xf32, #tpu.memory_space<vmem>> -> memref<1x200x128xf32, #tpu.memory_space<vmem>>
    %dma_start3A_7 = tpu.memref_squeeze %dma_start3A_6 : memref<1x200x128xf32, #tpu.memory_space<vmem>> -> memref<200x128xf32, #tpu.memory_space<vmem>>
    %dma_start3A_8 = tpu.memref_slice %arg5[%multiple_of3A_3] : memref<25600xi32, #tpu.memory_space<vmem>> -> memref<200xi32, #tpu.memory_space<vmem>>
    %dma_start3A_9 = arith.constant 0 : i32
    %dma_start3A_10 = arith.constant 0 : i32
    %dma_start3A_11 = tpu.memref_slice %arg3[%dma_start3A_9, %dma_start3A_10] : memref<100000x128xf32, #tpu.memory_space<hbm>> -> memref<100000x128xf32, #tpu.memory_space<hbm>>
    tpu.enqueue_indirect_dma source(%dma_start3A_11 : memref<100000x128xf32, #tpu.memory_space<hbm>>) target(%dma_start3A_7 : memref<200x128xf32, #tpu.memory_space<vmem>>) offsets(%dma_start3A_8 : memref<200xi32, #tpu.memory_space<vmem>>) semaphore(%arg7 : memref<!tpu.dma_semaphore, #tpu.memory_space<semaphore_mem>>)
    %multiple_of3A_12 = arith.constant 200 : i32
    %multiple_of3A_13 = tpu.assume_multiple %multiple_of3A_12, 200 : i32
    %dma_start3A_14 = arith.constant 1 : i32
    %dma_start3A_15 = arith.constant 0 : i32
    %dma_start3A_16 = arith.constant 0 : i32
    %dma_start3A_17 = tpu.memref_slice %arg6[%dma_start3A_14, %dma_start3A_15, %dma_start3A_16] : memref<4x200x128xf32, #tpu.memory_space<vmem>> -> memref<1x200x128xf32, #tpu.memory_space<vmem>>
    %dma_start3A_18 = tpu.memref_squeeze %dma_start3A_17 : memref<1x200x128xf32, #tpu.memory_space<vmem>> -> memref<200x128xf32, #tpu.memory_space<vmem>>
    %dma_start3A_19 = tpu.memref_slice %arg5[%multiple_of3A_13] : memref<25600xi32, #tpu.memory_space<vmem>> -> memref<200xi32, #tpu.memory_space<vmem>>
    %dma_start3A_20 = arith.constant 0 : i32
    %dma_start3A_21 = arith.constant 0 : i32
    %dma_start3A_22 = tpu.memref_slice %arg3[%dma_start3A_20, %dma_start3A_21] : memref<100000x128xf32, #tpu.memory_space<hbm>> -> memref<100000x128xf32, #tpu.memory_space<hbm>>
    tpu.enqueue_indirect_dma source(%dma_start3A_22 : memref<100000x128xf32, #tpu.memory_space<hbm>>) target(%dma_start3A_18 : memref<200x128xf32, #tpu.memory_space<vmem>>) offsets(%dma_start3A_19 : memref<200xi32, #tpu.memory_space<vmem>>) semaphore(%arg8 : memref<!tpu.dma_semaphore, #tpu.memory_space<semaphore_mem>>)
    %multiple_of3A_23 = arith.constant 400 : i32
    %multiple_of3A_24 = tpu.assume_multiple %multiple_of3A_23, 200 : i32
    %dma_start3A_25 = arith.constant 2 : i32
    %dma_start3A_26 = arith.constant 0 : i32
    %dma_start3A_27 = arith.constant 0 : i32
    %dma_start3A_28 = tpu.memref_slice %arg6[%dma_start3A_25, %dma_start3A_26, %dma_start3A_27] : memref<4x200x128xf32, #tpu.memory_space<vmem>> -> memref<1x200x128xf32, #tpu.memory_space<vmem>>
    %dma_start3A_29 = tpu.memref_squeeze %dma_start3A_28 : memref<1x200x128xf32, #tpu.memory_space<vmem>> -> memref<200x128xf32, #tpu.memory_space<vmem>>
    %dma_start3A_30 = tpu.memref_slice %arg5[%multiple_of3A_24] : memref<25600xi32, #tpu.memory_space<vmem>> -> memref<200xi32, #tpu.memory_space<vmem>>
    %dma_start3A_31 = arith.constant 0 : i32
    %dma_start3A_32 = arith.constant 0 : i32
    %dma_start3A_33 = tpu.memref_slice %arg3[%dma_start3A_31, %dma_start3A_32] : memref<100000x128xf32, #tpu.memory_space<hbm>> -> memref<100000x128xf32, #tpu.memory_space<hbm>>
    tpu.enqueue_indirect_dma source(%dma_start3A_33 : memref<100000x128xf32, #tpu.memory_space<hbm>>) target(%dma_start3A_29 : memref<200x128xf32, #tpu.memory_space<vmem>>) offsets(%dma_start3A_30 : memref<200xi32, #tpu.memory_space<vmem>>) semaphore(%arg9 : memref<!tpu.dma_semaphore, #tpu.memory_space<semaphore_mem>>)
    %multiple_of3A_34 = arith.constant 600 : i32
    %multiple_of3A_35 = tpu.assume_multiple %multiple_of3A_34, 200 : i32
    %dma_start3A_36 = arith.constant 3 : i32
    %dma_start3A_37 = arith.constant 0 : i32
    %dma_start3A_38 = arith.constant 0 : i32
    %dma_start3A_39 = tpu.memref_slice %arg6[%dma_start3A_36, %dma_start3A_37, %dma_start3A_38] : memref<4x200x128xf32, #tpu.memory_space<vmem>> -> memref<1x200x128xf32, #tpu.memory_space<vmem>>
    %dma_start3A_40 = tpu.memref_squeeze %dma_start3A_39 : memref<1x200x128xf32, #tpu.memory_space<vmem>> -> memref<200x128xf32, #tpu.memory_space<vmem>>
    %dma_start3A_41 = tpu.memref_slice %arg5[%multiple_of3A_35] : memref<25600xi32, #tpu.memory_space<vmem>> -> memref<200xi32, #tpu.memory_space<vmem>>
    %dma_start3A_42 = arith.constant 0 : i32
    %dma_start3A_43 = arith.constant 0 : i32
    %dma_start3A_44 = tpu.memref_slice %arg3[%dma_start3A_42, %dma_start3A_43] : memref<100000x128xf32, #tpu.memory_space<hbm>> -> memref<100000x128xf32, #tpu.memory_space<hbm>>
    tpu.enqueue_indirect_dma source(%dma_start3A_44 : memref<100000x128xf32, #tpu.memory_space<hbm>>) target(%dma_start3A_40 : memref<200x128xf32, #tpu.memory_space<vmem>>) offsets(%dma_start3A_41 : memref<200xi32, #tpu.memory_space<vmem>>) semaphore(%arg10 : memref<!tpu.dma_semaphore, #tpu.memory_space<semaphore_mem>>)
    %scan3A = arith.constant 0 : i32
    %scan3A_45 = arith.constant 0 : i32
    %scan3A_46 = arith.constant 31 : i32
    %scan3A_47 = arith.addi %scan3A_45, %scan3A_46 : i32
    %scan3A_48 = arith.constant 1 : i32
    scf.for %scan3A_233 = %scan3A_45 to %scan3A_47 step %scan3A_48  : i32 {
      %dma_wait3A_234 = arith.constant 0 : i32
      %dma_wait3A_235 = arith.constant 0 : i32
      %dma_wait3A_236 = arith.constant 0 : i32
      %dma_wait3A_237 = tpu.memref_slice %arg6[%dma_wait3A_234, %dma_wait3A_235, %dma_wait3A_236] : memref<4x200x128xf32, #tpu.memory_space<vmem>> -> memref<1x200x128xf32, #tpu.memory_space<vmem>>
      %dma_wait3A_238 = tpu.memref_squeeze %dma_wait3A_237 : memref<1x200x128xf32, #tpu.memory_space<vmem>> -> memref<200x128xf32, #tpu.memory_space<vmem>>
      %dma_wait3A_239 = arith.constant 0 : i32
      %dma_wait3A_240 = arith.constant 0 : i32
      %dma_wait3A_241 = tpu.memref_slice %arg4[%dma_wait3A_239, %dma_wait3A_240] : memref<819200x128xf32, #tpu.memory_space<hbm>> -> memref<200x128xf32, #tpu.memory_space<hbm>>
      %dma_wait3A_242 = arith.constant 0 : i32
      %dma_wait3A_243 = arith.constant 0 : i32
      %dma_wait3A_244 = tpu.memref_slice %arg6[%dma_wait3A_234, %dma_wait3A_242, %dma_wait3A_243] : memref<4x200x128xf32, #tpu.memory_space<vmem>> -> memref<1x200x128xf32, #tpu.memory_space<vmem>>
      %dma_wait3A_245 = tpu.memref_squeeze %dma_wait3A_244 : memref<1x200x128xf32, #tpu.memory_space<vmem>> -> memref<200x128xf32, #tpu.memory_space<vmem>>
      %dma_wait3A_246 = arith.constant 0 : i32
      %dma_wait3A_247 = arith.constant 0 : i32
      %dma_wait3A_248 = tpu.memref_slice %arg4[%dma_wait3A_246, %dma_wait3A_247] : memref<819200x128xf32, #tpu.memory_space<hbm>> -> memref<200x128xf32, #tpu.memory_space<hbm>>
      tpu.wait_dma2 semaphore(%arg7 : memref<!tpu.dma_semaphore, #tpu.memory_space<semaphore_mem>>) src(%dma_wait3A_248 : memref<200x128xf32, #tpu.memory_space<hbm>>) dst(%dma_wait3A_245 : memref<200x128xf32, #tpu.memory_space<vmem>>)
      %mul3A_249 = arith.constant 4 : i32
      %mul3A_250 = arith.muli %scan3A_233, %mul3A_249 : i32
      %add3A_251 = arith.constant 0 : i32
      %add3A_252 = arith.addi %mul3A_250, %add3A_251 : i32
      %mul3A_253 = arith.constant 200 : i32
      %mul3A_254 = arith.muli %add3A_252, %mul3A_253 : i32
      %multiple_of3A_255 = tpu.assume_multiple %mul3A_254, 200 : i32
      %add3A_256 = arith.addi %mul3A_2, %multiple_of3A_255 : i32
      %dma_start3A_257 = arith.constant 0 : i32
      %dma_start3A_258 = arith.constant 0 : i32
      %dma_start3A_259 = arith.constant 0 : i32
      %dma_start3A_260 = tpu.memref_slice %arg6[%dma_start3A_257, %dma_start3A_258, %dma_start3A_259] : memref<4x200x128xf32, #tpu.memory_space<vmem>> -> memref<1x200x128xf32, #tpu.memory_space<vmem>>
      %dma_start3A_261 = tpu.memref_squeeze %dma_start3A_260 : memref<1x200x128xf32, #tpu.memory_space<vmem>> -> memref<200x128xf32, #tpu.memory_space<vmem>>
      %dma_start3A_262 = arith.constant 0 : i32
      %dma_start3A_263 = tpu.memref_slice %arg4[%add3A_256, %dma_start3A_262] : memref<819200x128xf32, #tpu.memory_space<hbm>> -> memref<200x128xf32, #tpu.memory_space<hbm>>
      %dma_start3A_264 = arith.constant 0 : i32
      %dma_start3A_265 = tpu.memref_slice %arg4[%add3A_256, %dma_start3A_264] : memref<819200x128xf32, #tpu.memory_space<hbm>> -> memref<200x128xf32, #tpu.memory_space<hbm>>
      %dma_start3A_266 = arith.constant 0 : i32
      %dma_start3A_267 = arith.constant 0 : i32
      %dma_start3A_268 = tpu.memref_slice %arg6[%dma_start3A_257, %dma_start3A_266, %dma_start3A_267] : memref<4x200x128xf32, #tpu.memory_space<vmem>> -> memref<1x200x128xf32, #tpu.memory_space<vmem>>
      %dma_start3A_269 = tpu.memref_squeeze %dma_start3A_268 : memref<1x200x128xf32, #tpu.memory_space<vmem>> -> memref<200x128xf32, #tpu.memory_space<vmem>>
      tpu.enqueue_dma source(%dma_start3A_269 : memref<200x128xf32, #tpu.memory_space<vmem>>) target(%dma_start3A_265 : memref<200x128xf32, #tpu.memory_space<hbm>>) target_semaphore(%arg11 : memref<!tpu.dma_semaphore, #tpu.memory_space<semaphore_mem>>)
      %dma_wait3A_270 = arith.constant 0 : i32
      %dma_wait3A_271 = arith.constant 0 : i32
      %dma_wait3A_272 = arith.constant 0 : i32
      %dma_wait3A_273 = tpu.memref_slice %arg6[%dma_wait3A_270, %dma_wait3A_271, %dma_wait3A_272] : memref<4x200x128xf32, #tpu.memory_space<vmem>> -> memref<1x200x128xf32, #tpu.memory_space<vmem>>
      %dma_wait3A_274 = tpu.memref_squeeze %dma_wait3A_273 : memref<1x200x128xf32, #tpu.memory_space<vmem>> -> memref<200x128xf32, #tpu.memory_space<vmem>>
      %dma_wait3A_275 = arith.constant 0 : i32
      %dma_wait3A_276 = arith.constant 0 : i32
      %dma_wait3A_277 = tpu.memref_slice %arg4[%dma_wait3A_275, %dma_wait3A_276] : memref<819200x128xf32, #tpu.memory_space<hbm>> -> memref<200x128xf32, #tpu.memory_space<hbm>>
      %dma_wait3A_278 = arith.constant 0 : i32
      %dma_wait3A_279 = arith.constant 0 : i32
      %dma_wait3A_280 = tpu.memref_slice %arg6[%dma_wait3A_270, %dma_wait3A_278, %dma_wait3A_279] : memref<4x200x128xf32, #tpu.memory_space<vmem>> -> memref<1x200x128xf32, #tpu.memory_space<vmem>>
      %dma_wait3A_281 = tpu.memref_squeeze %dma_wait3A_280 : memref<1x200x128xf32, #tpu.memory_space<vmem>> -> memref<200x128xf32, #tpu.memory_space<vmem>>
      %dma_wait3A_282 = arith.constant 0 : i32
      %dma_wait3A_283 = arith.constant 0 : i32
      %dma_wait3A_284 = tpu.memref_slice %arg4[%dma_wait3A_282, %dma_wait3A_283] : memref<819200x128xf32, #tpu.memory_space<hbm>> -> memref<200x128xf32, #tpu.memory_space<hbm>>
      tpu.wait_dma2 semaphore(%arg8 : memref<!tpu.dma_semaphore, #tpu.memory_space<semaphore_mem>>) src(%dma_wait3A_284 : memref<200x128xf32, #tpu.memory_space<hbm>>) dst(%dma_wait3A_281 : memref<200x128xf32, #tpu.memory_space<vmem>>)
      %mul3A_285 = arith.constant 4 : i32
      %mul3A_286 = arith.muli %scan3A_233, %mul3A_285 : i32
      %add3A_287 = arith.constant 1 : i32
      %add3A_288 = arith.addi %mul3A_286, %add3A_287 : i32
      %mul3A_289 = arith.constant 200 : i32
      %mul3A_290 = arith.muli %add3A_288, %mul3A_289 : i32
      %multiple_of3A_291 = tpu.assume_multiple %mul3A_290, 200 : i32
      %add3A_292 = arith.addi %mul3A_2, %multiple_of3A_291 : i32
      %dma_start3A_293 = arith.constant 1 : i32
      %dma_start3A_294 = arith.constant 0 : i32
      %dma_start3A_295 = arith.constant 0 : i32
      %dma_start3A_296 = tpu.memref_slice %arg6[%dma_start3A_293, %dma_start3A_294, %dma_start3A_295] : memref<4x200x128xf32, #tpu.memory_space<vmem>> -> memref<1x200x128xf32, #tpu.memory_space<vmem>>
      %dma_start3A_297 = tpu.memref_squeeze %dma_start3A_296 : memref<1x200x128xf32, #tpu.memory_space<vmem>> -> memref<200x128xf32, #tpu.memory_space<vmem>>
      %dma_start3A_298 = arith.constant 0 : i32
      %dma_start3A_299 = tpu.memref_slice %arg4[%add3A_292, %dma_start3A_298] : memref<819200x128xf32, #tpu.memory_space<hbm>> -> memref<200x128xf32, #tpu.memory_space<hbm>>
      %dma_start3A_300 = arith.constant 0 : i32
      %dma_start3A_301 = tpu.memref_slice %arg4[%add3A_292, %dma_start3A_300] : memref<819200x128xf32, #tpu.memory_space<hbm>> -> memref<200x128xf32, #tpu.memory_space<hbm>>
      %dma_start3A_302 = arith.constant 0 : i32
      %dma_start3A_303 = arith.constant 0 : i32
      %dma_start3A_304 = tpu.memref_slice %arg6[%dma_start3A_293, %dma_start3A_302, %dma_start3A_303] : memref<4x200x128xf32, #tpu.memory_space<vmem>> -> memref<1x200x128xf32, #tpu.memory_space<vmem>>
      %dma_start3A_305 = tpu.memref_squeeze %dma_start3A_304 : memref<1x200x128xf32, #tpu.memory_space<vmem>> -> memref<200x128xf32, #tpu.memory_space<vmem>>
      tpu.enqueue_dma source(%dma_start3A_305 : memref<200x128xf32, #tpu.memory_space<vmem>>) target(%dma_start3A_301 : memref<200x128xf32, #tpu.memory_space<hbm>>) target_semaphore(%arg12 : memref<!tpu.dma_semaphore, #tpu.memory_space<semaphore_mem>>)
      %dma_wait3A_306 = arith.constant 0 : i32
      %dma_wait3A_307 = arith.constant 0 : i32
      %dma_wait3A_308 = arith.constant 0 : i32
      %dma_wait3A_309 = tpu.memref_slice %arg6[%dma_wait3A_306, %dma_wait3A_307, %dma_wait3A_308] : memref<4x200x128xf32, #tpu.memory_space<vmem>> -> memref<1x200x128xf32, #tpu.memory_space<vmem>>
      %dma_wait3A_310 = tpu.memref_squeeze %dma_wait3A_309 : memref<1x200x128xf32, #tpu.memory_space<vmem>> -> memref<200x128xf32, #tpu.memory_space<vmem>>
      %dma_wait3A_311 = arith.constant 0 : i32
      %dma_wait3A_312 = arith.constant 0 : i32
      %dma_wait3A_313 = tpu.memref_slice %arg4[%dma_wait3A_311, %dma_wait3A_312] : memref<819200x128xf32, #tpu.memory_space<hbm>> -> memref<200x128xf32, #tpu.memory_space<hbm>>
      %dma_wait3A_314 = arith.constant 0 : i32
      %dma_wait3A_315 = arith.constant 0 : i32
      %dma_wait3A_316 = tpu.memref_slice %arg6[%dma_wait3A_306, %dma_wait3A_314, %dma_wait3A_315] : memref<4x200x128xf32, #tpu.memory_space<vmem>> -> memref<1x200x128xf32, #tpu.memory_space<vmem>>
      %dma_wait3A_317 = tpu.memref_squeeze %dma_wait3A_316 : memref<1x200x128xf32, #tpu.memory_space<vmem>> -> memref<200x128xf32, #tpu.memory_space<vmem>>
      %dma_wait3A_318 = arith.constant 0 : i32
      %dma_wait3A_319 = arith.constant 0 : i32
      %dma_wait3A_320 = tpu.memref_slice %arg4[%dma_wait3A_318, %dma_wait3A_319] : memref<819200x128xf32, #tpu.memory_space<hbm>> -> memref<200x128xf32, #tpu.memory_space<hbm>>
      tpu.wait_dma2 semaphore(%arg9 : memref<!tpu.dma_semaphore, #tpu.memory_space<semaphore_mem>>) src(%dma_wait3A_320 : memref<200x128xf32, #tpu.memory_space<hbm>>) dst(%dma_wait3A_317 : memref<200x128xf32, #tpu.memory_space<vmem>>)
      %mul3A_321 = arith.constant 4 : i32
      %mul3A_322 = arith.muli %scan3A_233, %mul3A_321 : i32
      %add3A_323 = arith.constant 2 : i32
      %add3A_324 = arith.addi %mul3A_322, %add3A_323 : i32
      %mul3A_325 = arith.constant 200 : i32
      %mul3A_326 = arith.muli %add3A_324, %mul3A_325 : i32
      %multiple_of3A_327 = tpu.assume_multiple %mul3A_326, 200 : i32
      %add3A_328 = arith.addi %mul3A_2, %multiple_of3A_327 : i32
      %dma_start3A_329 = arith.constant 2 : i32
      %dma_start3A_330 = arith.constant 0 : i32
      %dma_start3A_331 = arith.constant 0 : i32
      %dma_start3A_332 = tpu.memref_slice %arg6[%dma_start3A_329, %dma_start3A_330, %dma_start3A_331] : memref<4x200x128xf32, #tpu.memory_space<vmem>> -> memref<1x200x128xf32, #tpu.memory_space<vmem>>
      %dma_start3A_333 = tpu.memref_squeeze %dma_start3A_332 : memref<1x200x128xf32, #tpu.memory_space<vmem>> -> memref<200x128xf32, #tpu.memory_space<vmem>>
      %dma_start3A_334 = arith.constant 0 : i32
      %dma_start3A_335 = tpu.memref_slice %arg4[%add3A_328, %dma_start3A_334] : memref<819200x128xf32, #tpu.memory_space<hbm>> -> memref<200x128xf32, #tpu.memory_space<hbm>>
      %dma_start3A_336 = arith.constant 0 : i32
      %dma_start3A_337 = tpu.memref_slice %arg4[%add3A_328, %dma_start3A_336] : memref<819200x128xf32, #tpu.memory_space<hbm>> -> memref<200x128xf32, #tpu.memory_space<hbm>>
      %dma_start3A_338 = arith.constant 0 : i32
      %dma_start3A_339 = arith.constant 0 : i32
      %dma_start3A_340 = tpu.memref_slice %arg6[%dma_start3A_329, %dma_start3A_338, %dma_start3A_339] : memref<4x200x128xf32, #tpu.memory_space<vmem>> -> memref<1x200x128xf32, #tpu.memory_space<vmem>>
      %dma_start3A_341 = tpu.memref_squeeze %dma_start3A_340 : memref<1x200x128xf32, #tpu.memory_space<vmem>> -> memref<200x128xf32, #tpu.memory_space<vmem>>
      tpu.enqueue_dma source(%dma_start3A_341 : memref<200x128xf32, #tpu.memory_space<vmem>>) target(%dma_start3A_337 : memref<200x128xf32, #tpu.memory_space<hbm>>) target_semaphore(%arg13 : memref<!tpu.dma_semaphore, #tpu.memory_space<semaphore_mem>>)
      %dma_wait3A_342 = arith.constant 0 : i32
      %dma_wait3A_343 = arith.constant 0 : i32
      %dma_wait3A_344 = arith.constant 0 : i32
      %dma_wait3A_345 = tpu.memref_slice %arg6[%dma_wait3A_342, %dma_wait3A_343, %dma_wait3A_344] : memref<4x200x128xf32, #tpu.memory_space<vmem>> -> memref<1x200x128xf32, #tpu.memory_space<vmem>>
      %dma_wait3A_346 = tpu.memref_squeeze %dma_wait3A_345 : memref<1x200x128xf32, #tpu.memory_space<vmem>> -> memref<200x128xf32, #tpu.memory_space<vmem>>
      %dma_wait3A_347 = arith.constant 0 : i32
      %dma_wait3A_348 = arith.constant 0 : i32
      %dma_wait3A_349 = tpu.memref_slice %arg4[%dma_wait3A_347, %dma_wait3A_348] : memref<819200x128xf32, #tpu.memory_space<hbm>> -> memref<200x128xf32, #tpu.memory_space<hbm>>
      %dma_wait3A_350 = arith.constant 0 : i32
      %dma_wait3A_351 = arith.constant 0 : i32
      %dma_wait3A_352 = tpu.memref_slice %arg6[%dma_wait3A_342, %dma_wait3A_350, %dma_wait3A_351] : memref<4x200x128xf32, #tpu.memory_space<vmem>> -> memref<1x200x128xf32, #tpu.memory_space<vmem>>
      %dma_wait3A_353 = tpu.memref_squeeze %dma_wait3A_352 : memref<1x200x128xf32, #tpu.memory_space<vmem>> -> memref<200x128xf32, #tpu.memory_space<vmem>>
      %dma_wait3A_354 = arith.constant 0 : i32
      %dma_wait3A_355 = arith.constant 0 : i32
      %dma_wait3A_356 = tpu.memref_slice %arg4[%dma_wait3A_354, %dma_wait3A_355] : memref<819200x128xf32, #tpu.memory_space<hbm>> -> memref<200x128xf32, #tpu.memory_space<hbm>>
      tpu.wait_dma2 semaphore(%arg10 : memref<!tpu.dma_semaphore, #tpu.memory_space<semaphore_mem>>) src(%dma_wait3A_356 : memref<200x128xf32, #tpu.memory_space<hbm>>) dst(%dma_wait3A_353 : memref<200x128xf32, #tpu.memory_space<vmem>>)
      %mul3A_357 = arith.constant 4 : i32
      %mul3A_358 = arith.muli %scan3A_233, %mul3A_357 : i32
      %add3A_359 = arith.constant 3 : i32
      %add3A_360 = arith.addi %mul3A_358, %add3A_359 : i32
      %mul3A_361 = arith.constant 200 : i32
      %mul3A_362 = arith.muli %add3A_360, %mul3A_361 : i32
      %multiple_of3A_363 = tpu.assume_multiple %mul3A_362, 200 : i32
      %add3A_364 = arith.addi %mul3A_2, %multiple_of3A_363 : i32
      %dma_start3A_365 = arith.constant 3 : i32
      %dma_start3A_366 = arith.constant 0 : i32
      %dma_start3A_367 = arith.constant 0 : i32
      %dma_start3A_368 = tpu.memref_slice %arg6[%dma_start3A_365, %dma_start3A_366, %dma_start3A_367] : memref<4x200x128xf32, #tpu.memory_space<vmem>> -> memref<1x200x128xf32, #tpu.memory_space<vmem>>
      %dma_start3A_369 = tpu.memref_squeeze %dma_start3A_368 : memref<1x200x128xf32, #tpu.memory_space<vmem>> -> memref<200x128xf32, #tpu.memory_space<vmem>>
      %dma_start3A_370 = arith.constant 0 : i32
      %dma_start3A_371 = tpu.memref_slice %arg4[%add3A_364, %dma_start3A_370] : memref<819200x128xf32, #tpu.memory_space<hbm>> -> memref<200x128xf32, #tpu.memory_space<hbm>>
      %dma_start3A_372 = arith.constant 0 : i32
      %dma_start3A_373 = tpu.memref_slice %arg4[%add3A_364, %dma_start3A_372] : memref<819200x128xf32, #tpu.memory_space<hbm>> -> memref<200x128xf32, #tpu.memory_space<hbm>>
      %dma_start3A_374 = arith.constant 0 : i32
      %dma_start3A_375 = arith.constant 0 : i32
      %dma_start3A_376 = tpu.memref_slice %arg6[%dma_start3A_365, %dma_start3A_374, %dma_start3A_375] : memref<4x200x128xf32, #tpu.memory_space<vmem>> -> memref<1x200x128xf32, #tpu.memory_space<vmem>>
      %dma_start3A_377 = tpu.memref_squeeze %dma_start3A_376 : memref<1x200x128xf32, #tpu.memory_space<vmem>> -> memref<200x128xf32, #tpu.memory_space<vmem>>
      tpu.enqueue_dma source(%dma_start3A_377 : memref<200x128xf32, #tpu.memory_space<vmem>>) target(%dma_start3A_373 : memref<200x128xf32, #tpu.memory_space<hbm>>) target_semaphore(%arg14 : memref<!tpu.dma_semaphore, #tpu.memory_space<semaphore_mem>>)
      %dma_wait3A_378 = arith.constant 0 : i32
      %dma_wait3A_379 = arith.constant 0 : i32
      %dma_wait3A_380 = arith.constant 0 : i32
      %dma_wait3A_381 = tpu.memref_slice %arg6[%dma_wait3A_378, %dma_wait3A_379, %dma_wait3A_380] : memref<4x200x128xf32, #tpu.memory_space<vmem>> -> memref<1x200x128xf32, #tpu.memory_space<vmem>>
      %dma_wait3A_382 = tpu.memref_squeeze %dma_wait3A_381 : memref<1x200x128xf32, #tpu.memory_space<vmem>> -> memref<200x128xf32, #tpu.memory_space<vmem>>
      %dma_wait3A_383 = arith.constant 0 : i32
      %dma_wait3A_384 = arith.constant 0 : i32
      %dma_wait3A_385 = tpu.memref_slice %arg4[%dma_wait3A_383, %dma_wait3A_384] : memref<819200x128xf32, #tpu.memory_space<hbm>> -> memref<200x128xf32, #tpu.memory_space<hbm>>
      %dma_wait3A_386 = arith.constant 0 : i32
      %dma_wait3A_387 = arith.constant 0 : i32
      %dma_wait3A_388 = tpu.memref_slice %arg6[%dma_wait3A_378, %dma_wait3A_386, %dma_wait3A_387] : memref<4x200x128xf32, #tpu.memory_space<vmem>> -> memref<1x200x128xf32, #tpu.memory_space<vmem>>
      %dma_wait3A_389 = tpu.memref_squeeze %dma_wait3A_388 : memref<1x200x128xf32, #tpu.memory_space<vmem>> -> memref<200x128xf32, #tpu.memory_space<vmem>>
      %dma_wait3A_390 = arith.constant 0 : i32
      %dma_wait3A_391 = arith.constant 0 : i32
      %dma_wait3A_392 = tpu.memref_slice %arg4[%dma_wait3A_390, %dma_wait3A_391] : memref<819200x128xf32, #tpu.memory_space<hbm>> -> memref<200x128xf32, #tpu.memory_space<hbm>>
      tpu.wait_dma2 semaphore(%arg11 : memref<!tpu.dma_semaphore, #tpu.memory_space<semaphore_mem>>) src(%dma_wait3A_392 : memref<200x128xf32, #tpu.memory_space<hbm>>) dst(%dma_wait3A_389 : memref<200x128xf32, #tpu.memory_space<vmem>>)
      %add3A_393 = arith.constant 1 : i32
      %add3A_394 = arith.addi %scan3A_233, %add3A_393 : i32
      %mul3A_395 = arith.constant 4 : i32
      %mul3A_396 = arith.muli %add3A_394, %mul3A_395 : i32
      %add3A_397 = arith.constant 0 : i32
      %add3A_398 = arith.addi %mul3A_396, %add3A_397 : i32
      %mul3A_399 = arith.constant 200 : i32
      %mul3A_400 = arith.muli %add3A_398, %mul3A_399 : i32
      %multiple_of3A_401 = tpu.assume_multiple %mul3A_400, 200 : i32
      %dma_start3A_402 = arith.constant 0 : i32
      %dma_start3A_403 = arith.constant 0 : i32
      %dma_start3A_404 = arith.constant 0 : i32
      %dma_start3A_405 = tpu.memref_slice %arg6[%dma_start3A_402, %dma_start3A_403, %dma_start3A_404] : memref<4x200x128xf32, #tpu.memory_space<vmem>> -> memref<1x200x128xf32, #tpu.memory_space<vmem>>
      %dma_start3A_406 = tpu.memref_squeeze %dma_start3A_405 : memref<1x200x128xf32, #tpu.memory_space<vmem>> -> memref<200x128xf32, #tpu.memory_space<vmem>>
      %dma_start3A_407 = tpu.memref_slice %arg5[%multiple_of3A_401] : memref<25600xi32, #tpu.memory_space<vmem>> -> memref<200xi32, #tpu.memory_space<vmem>>
      %dma_start3A_408 = arith.constant 0 : i32
      %dma_start3A_409 = arith.constant 0 : i32
      %dma_start3A_410 = tpu.memref_slice %arg3[%dma_start3A_408, %dma_start3A_409] : memref<100000x128xf32, #tpu.memory_space<hbm>> -> memref<100000x128xf32, #tpu.memory_space<hbm>>
      tpu.enqueue_indirect_dma source(%dma_start3A_410 : memref<100000x128xf32, #tpu.memory_space<hbm>>) target(%dma_start3A_406 : memref<200x128xf32, #tpu.memory_space<vmem>>) offsets(%dma_start3A_407 : memref<200xi32, #tpu.memory_space<vmem>>) semaphore(%arg7 : memref<!tpu.dma_semaphore, #tpu.memory_space<semaphore_mem>>)
      %dma_wait3A_411 = arith.constant 0 : i32
      %dma_wait3A_412 = arith.constant 0 : i32
      %dma_wait3A_413 = arith.constant 0 : i32
      %dma_wait3A_414 = tpu.memref_slice %arg6[%dma_wait3A_411, %dma_wait3A_412, %dma_wait3A_413] : memref<4x200x128xf32, #tpu.memory_space<vmem>> -> memref<1x200x128xf32, #tpu.memory_space<vmem>>
      %dma_wait3A_415 = tpu.memref_squeeze %dma_wait3A_414 : memref<1x200x128xf32, #tpu.memory_space<vmem>> -> memref<200x128xf32, #tpu.memory_space<vmem>>
      %dma_wait3A_416 = arith.constant 0 : i32
      %dma_wait3A_417 = arith.constant 0 : i32
      %dma_wait3A_418 = tpu.memref_slice %arg4[%dma_wait3A_416, %dma_wait3A_417] : memref<819200x128xf32, #tpu.memory_space<hbm>> -> memref<200x128xf32, #tpu.memory_space<hbm>>
      %dma_wait3A_419 = arith.constant 0 : i32
      %dma_wait3A_420 = arith.constant 0 : i32
      %dma_wait3A_421 = tpu.memref_slice %arg6[%dma_wait3A_411, %dma_wait3A_419, %dma_wait3A_420] : memref<4x200x128xf32, #tpu.memory_space<vmem>> -> memref<1x200x128xf32, #tpu.memory_space<vmem>>
      %dma_wait3A_422 = tpu.memref_squeeze %dma_wait3A_421 : memref<1x200x128xf32, #tpu.memory_space<vmem>> -> memref<200x128xf32, #tpu.memory_space<vmem>>
      %dma_wait3A_423 = arith.constant 0 : i32
      %dma_wait3A_424 = arith.constant 0 : i32
      %dma_wait3A_425 = tpu.memref_slice %arg4[%dma_wait3A_423, %dma_wait3A_424] : memref<819200x128xf32, #tpu.memory_space<hbm>> -> memref<200x128xf32, #tpu.memory_space<hbm>>
      tpu.wait_dma2 semaphore(%arg12 : memref<!tpu.dma_semaphore, #tpu.memory_space<semaphore_mem>>) src(%dma_wait3A_425 : memref<200x128xf32, #tpu.memory_space<hbm>>) dst(%dma_wait3A_422 : memref<200x128xf32, #tpu.memory_space<vmem>>)
      %add3A_426 = arith.constant 1 : i32
      %add3A_427 = arith.addi %scan3A_233, %add3A_426 : i32
      %mul3A_428 = arith.constant 4 : i32
      %mul3A_429 = arith.muli %add3A_427, %mul3A_428 : i32
      %add3A_430 = arith.constant 1 : i32
      %add3A_431 = arith.addi %mul3A_429, %add3A_430 : i32
      %mul3A_432 = arith.constant 200 : i32
      %mul3A_433 = arith.muli %add3A_431, %mul3A_432 : i32
      %multiple_of3A_434 = tpu.assume_multiple %mul3A_433, 200 : i32
      %dma_start3A_435 = arith.constant 1 : i32
      %dma_start3A_436 = arith.constant 0 : i32
      %dma_start3A_437 = arith.constant 0 : i32
      %dma_start3A_438 = tpu.memref_slice %arg6[%dma_start3A_435, %dma_start3A_436, %dma_start3A_437] : memref<4x200x128xf32, #tpu.memory_space<vmem>> -> memref<1x200x128xf32, #tpu.memory_space<vmem>>
      %dma_start3A_439 = tpu.memref_squeeze %dma_start3A_438 : memref<1x200x128xf32, #tpu.memory_space<vmem>> -> memref<200x128xf32, #tpu.memory_space<vmem>>
      %dma_start3A_440 = tpu.memref_slice %arg5[%multiple_of3A_434] : memref<25600xi32, #tpu.memory_space<vmem>> -> memref<200xi32, #tpu.memory_space<vmem>>
      %dma_start3A_441 = arith.constant 0 : i32
      %dma_start3A_442 = arith.constant 0 : i32
      %dma_start3A_443 = tpu.memref_slice %arg3[%dma_start3A_441, %dma_start3A_442] : memref<100000x128xf32, #tpu.memory_space<hbm>> -> memref<100000x128xf32, #tpu.memory_space<hbm>>
      tpu.enqueue_indirect_dma source(%dma_start3A_443 : memref<100000x128xf32, #tpu.memory_space<hbm>>) target(%dma_start3A_439 : memref<200x128xf32, #tpu.memory_space<vmem>>) offsets(%dma_start3A_440 : memref<200xi32, #tpu.memory_space<vmem>>) semaphore(%arg8 : memref<!tpu.dma_semaphore, #tpu.memory_space<semaphore_mem>>)
      %dma_wait3A_444 = arith.constant 0 : i32
      %dma_wait3A_445 = arith.constant 0 : i32
      %dma_wait3A_446 = arith.constant 0 : i32
      %dma_wait3A_447 = tpu.memref_slice %arg6[%dma_wait3A_444, %dma_wait3A_445, %dma_wait3A_446] : memref<4x200x128xf32, #tpu.memory_space<vmem>> -> memref<1x200x128xf32, #tpu.memory_space<vmem>>
      %dma_wait3A_448 = tpu.memref_squeeze %dma_wait3A_447 : memref<1x200x128xf32, #tpu.memory_space<vmem>> -> memref<200x128xf32, #tpu.memory_space<vmem>>
      %dma_wait3A_449 = arith.constant 0 : i32
      %dma_wait3A_450 = arith.constant 0 : i32
      %dma_wait3A_451 = tpu.memref_slice %arg4[%dma_wait3A_449, %dma_wait3A_450] : memref<819200x128xf32, #tpu.memory_space<hbm>> -> memref<200x128xf32, #tpu.memory_space<hbm>>
      %dma_wait3A_452 = arith.constant 0 : i32
      %dma_wait3A_453 = arith.constant 0 : i32
      %dma_wait3A_454 = tpu.memref_slice %arg6[%dma_wait3A_444, %dma_wait3A_452, %dma_wait3A_453] : memref<4x200x128xf32, #tpu.memory_space<vmem>> -> memref<1x200x128xf32, #tpu.memory_space<vmem>>
      %dma_wait3A_455 = tpu.memref_squeeze %dma_wait3A_454 : memref<1x200x128xf32, #tpu.memory_space<vmem>> -> memref<200x128xf32, #tpu.memory_space<vmem>>
      %dma_wait3A_456 = arith.constant 0 : i32
      %dma_wait3A_457 = arith.constant 0 : i32
      %dma_wait3A_458 = tpu.memref_slice %arg4[%dma_wait3A_456, %dma_wait3A_457] : memref<819200x128xf32, #tpu.memory_space<hbm>> -> memref<200x128xf32, #tpu.memory_space<hbm>>
      tpu.wait_dma2 semaphore(%arg13 : memref<!tpu.dma_semaphore, #tpu.memory_space<semaphore_mem>>) src(%dma_wait3A_458 : memref<200x128xf32, #tpu.memory_space<hbm>>) dst(%dma_wait3A_455 : memref<200x128xf32, #tpu.memory_space<vmem>>)
      %add3A_459 = arith.constant 1 : i32
      %add3A_460 = arith.addi %scan3A_233, %add3A_459 : i32
      %mul3A_461 = arith.constant 4 : i32
      %mul3A_462 = arith.muli %add3A_460, %mul3A_461 : i32
      %add3A_463 = arith.constant 2 : i32
      %add3A_464 = arith.addi %mul3A_462, %add3A_463 : i32
      %mul3A_465 = arith.constant 200 : i32
      %mul3A_466 = arith.muli %add3A_464, %mul3A_465 : i32
      %multiple_of3A_467 = tpu.assume_multiple %mul3A_466, 200 : i32
      %dma_start3A_468 = arith.constant 2 : i32
      %dma_start3A_469 = arith.constant 0 : i32
      %dma_start3A_470 = arith.constant 0 : i32
      %dma_start3A_471 = tpu.memref_slice %arg6[%dma_start3A_468, %dma_start3A_469, %dma_start3A_470] : memref<4x200x128xf32, #tpu.memory_space<vmem>> -> memref<1x200x128xf32, #tpu.memory_space<vmem>>
      %dma_start3A_472 = tpu.memref_squeeze %dma_start3A_471 : memref<1x200x128xf32, #tpu.memory_space<vmem>> -> memref<200x128xf32, #tpu.memory_space<vmem>>
      %dma_start3A_473 = tpu.memref_slice %arg5[%multiple_of3A_467] : memref<25600xi32, #tpu.memory_space<vmem>> -> memref<200xi32, #tpu.memory_space<vmem>>
      %dma_start3A_474 = arith.constant 0 : i32
      %dma_start3A_475 = arith.constant 0 : i32
      %dma_start3A_476 = tpu.memref_slice %arg3[%dma_start3A_474, %dma_start3A_475] : memref<100000x128xf32, #tpu.memory_space<hbm>> -> memref<100000x128xf32, #tpu.memory_space<hbm>>
      tpu.enqueue_indirect_dma source(%dma_start3A_476 : memref<100000x128xf32, #tpu.memory_space<hbm>>) target(%dma_start3A_472 : memref<200x128xf32, #tpu.memory_space<vmem>>) offsets(%dma_start3A_473 : memref<200xi32, #tpu.memory_space<vmem>>) semaphore(%arg9 : memref<!tpu.dma_semaphore, #tpu.memory_space<semaphore_mem>>)
      %dma_wait3A_477 = arith.constant 0 : i32
      %dma_wait3A_478 = arith.constant 0 : i32
      %dma_wait3A_479 = arith.constant 0 : i32
      %dma_wait3A_480 = tpu.memref_slice %arg6[%dma_wait3A_477, %dma_wait3A_478, %dma_wait3A_479] : memref<4x200x128xf32, #tpu.memory_space<vmem>> -> memref<1x200x128xf32, #tpu.memory_space<vmem>>
      %dma_wait3A_481 = tpu.memref_squeeze %dma_wait3A_480 : memref<1x200x128xf32, #tpu.memory_space<vmem>> -> memref<200x128xf32, #tpu.memory_space<vmem>>
      %dma_wait3A_482 = arith.constant 0 : i32
      %dma_wait3A_483 = arith.constant 0 : i32
      %dma_wait3A_484 = tpu.memref_slice %arg4[%dma_wait3A_482, %dma_wait3A_483] : memref<819200x128xf32, #tpu.memory_space<hbm>> -> memref<200x128xf32, #tpu.memory_space<hbm>>
      %dma_wait3A_485 = arith.constant 0 : i32
      %dma_wait3A_486 = arith.constant 0 : i32
      %dma_wait3A_487 = tpu.memref_slice %arg6[%dma_wait3A_477, %dma_wait3A_485, %dma_wait3A_486] : memref<4x200x128xf32, #tpu.memory_space<vmem>> -> memref<1x200x128xf32, #tpu.memory_space<vmem>>
      %dma_wait3A_488 = tpu.memref_squeeze %dma_wait3A_487 : memref<1x200x128xf32, #tpu.memory_space<vmem>> -> memref<200x128xf32, #tpu.memory_space<vmem>>
      %dma_wait3A_489 = arith.constant 0 : i32
      %dma_wait3A_490 = arith.constant 0 : i32
      %dma_wait3A_491 = tpu.memref_slice %arg4[%dma_wait3A_489, %dma_wait3A_490] : memref<819200x128xf32, #tpu.memory_space<hbm>> -> memref<200x128xf32, #tpu.memory_space<hbm>>
      tpu.wait_dma2 semaphore(%arg14 : memref<!tpu.dma_semaphore, #tpu.memory_space<semaphore_mem>>) src(%dma_wait3A_491 : memref<200x128xf32, #tpu.memory_space<hbm>>) dst(%dma_wait3A_488 : memref<200x128xf32, #tpu.memory_space<vmem>>)
      %add3A_492 = arith.constant 1 : i32
      %add3A_493 = arith.addi %scan3A_233, %add3A_492 : i32
      %mul3A_494 = arith.constant 4 : i32
      %mul3A_495 = arith.muli %add3A_493, %mul3A_494 : i32
      %add3A_496 = arith.constant 3 : i32
      %add3A_497 = arith.addi %mul3A_495, %add3A_496 : i32
      %mul3A_498 = arith.constant 200 : i32
      %mul3A_499 = arith.muli %add3A_497, %mul3A_498 : i32
      %multiple_of3A_500 = tpu.assume_multiple %mul3A_499, 200 : i32
      %dma_start3A_501 = arith.constant 3 : i32
      %dma_start3A_502 = arith.constant 0 : i32
      %dma_start3A_503 = arith.constant 0 : i32
      %dma_start3A_504 = tpu.memref_slice %arg6[%dma_start3A_501, %dma_start3A_502, %dma_start3A_503] : memref<4x200x128xf32, #tpu.memory_space<vmem>> -> memref<1x200x128xf32, #tpu.memory_space<vmem>>
      %dma_start3A_505 = tpu.memref_squeeze %dma_start3A_504 : memref<1x200x128xf32, #tpu.memory_space<vmem>> -> memref<200x128xf32, #tpu.memory_space<vmem>>
      %dma_start3A_506 = tpu.memref_slice %arg5[%multiple_of3A_500] : memref<25600xi32, #tpu.memory_space<vmem>> -> memref<200xi32, #tpu.memory_space<vmem>>
      %dma_start3A_507 = arith.constant 0 : i32
      %dma_start3A_508 = arith.constant 0 : i32
      %dma_start3A_509 = tpu.memref_slice %arg3[%dma_start3A_507, %dma_start3A_508] : memref<100000x128xf32, #tpu.memory_space<hbm>> -> memref<100000x128xf32, #tpu.memory_space<hbm>>
      tpu.enqueue_indirect_dma source(%dma_start3A_509 : memref<100000x128xf32, #tpu.memory_space<hbm>>) target(%dma_start3A_505 : memref<200x128xf32, #tpu.memory_space<vmem>>) offsets(%dma_start3A_506 : memref<200xi32, #tpu.memory_space<vmem>>) semaphore(%arg10 : memref<!tpu.dma_semaphore, #tpu.memory_space<semaphore_mem>>)
    }
    %scan3A_49 = arith.constant 31 : i32
    %dma_wait3A = arith.constant 0 : i32
    %dma_wait3A_50 = arith.constant 0 : i32
    %dma_wait3A_51 = arith.constant 0 : i32
    %dma_wait3A_52 = tpu.memref_slice %arg6[%dma_wait3A, %dma_wait3A_50, %dma_wait3A_51] : memref<4x200x128xf32, #tpu.memory_space<vmem>> -> memref<1x200x128xf32, #tpu.memory_space<vmem>>
    %dma_wait3A_53 = tpu.memref_squeeze %dma_wait3A_52 : memref<1x200x128xf32, #tpu.memory_space<vmem>> -> memref<200x128xf32, #tpu.memory_space<vmem>>
    %dma_wait3A_54 = arith.constant 0 : i32
    %dma_wait3A_55 = arith.constant 0 : i32
    %dma_wait3A_56 = tpu.memref_slice %arg4[%dma_wait3A_54, %dma_wait3A_55] : memref<819200x128xf32, #tpu.memory_space<hbm>> -> memref<200x128xf32, #tpu.memory_space<hbm>>
    %dma_wait3A_57 = arith.constant 0 : i32
    %dma_wait3A_58 = arith.constant 0 : i32
    %dma_wait3A_59 = tpu.memref_slice %arg6[%dma_wait3A, %dma_wait3A_57, %dma_wait3A_58] : memref<4x200x128xf32, #tpu.memory_space<vmem>> -> memref<1x200x128xf32, #tpu.memory_space<vmem>>
    %dma_wait3A_60 = tpu.memref_squeeze %dma_wait3A_59 : memref<1x200x128xf32, #tpu.memory_space<vmem>> -> memref<200x128xf32, #tpu.memory_space<vmem>>
    %dma_wait3A_61 = arith.constant 0 : i32
    %dma_wait3A_62 = arith.constant 0 : i32
    %dma_wait3A_63 = tpu.memref_slice %arg4[%dma_wait3A_61, %dma_wait3A_62] : memref<819200x128xf32, #tpu.memory_space<hbm>> -> memref<200x128xf32, #tpu.memory_space<hbm>>
    tpu.wait_dma2 semaphore(%arg7 : memref<!tpu.dma_semaphore, #tpu.memory_space<semaphore_mem>>) src(%dma_wait3A_63 : memref<200x128xf32, #tpu.memory_space<hbm>>) dst(%dma_wait3A_60 : memref<200x128xf32, #tpu.memory_space<vmem>>)
    %multiple_of3A_64 = arith.constant 24800 : i32
    %multiple_of3A_65 = tpu.assume_multiple %multiple_of3A_64, 200 : i32
    %add3A_66 = arith.addi %mul3A_2, %multiple_of3A_65 : i32
    %dma_start3A_67 = arith.constant 0 : i32
    %dma_start3A_68 = arith.constant 0 : i32
    %dma_start3A_69 = arith.constant 0 : i32
    %dma_start3A_70 = tpu.memref_slice %arg6[%dma_start3A_67, %dma_start3A_68, %dma_start3A_69] : memref<4x200x128xf32, #tpu.memory_space<vmem>> -> memref<1x200x128xf32, #tpu.memory_space<vmem>>
    %dma_start3A_71 = tpu.memref_squeeze %dma_start3A_70 : memref<1x200x128xf32, #tpu.memory_space<vmem>> -> memref<200x128xf32, #tpu.memory_space<vmem>>
    %dma_start3A_72 = arith.constant 0 : i32
    %dma_start3A_73 = tpu.memref_slice %arg4[%add3A_66, %dma_start3A_72] : memref<819200x128xf32, #tpu.memory_space<hbm>> -> memref<200x128xf32, #tpu.memory_space<hbm>>
    %dma_start3A_74 = arith.constant 0 : i32
    %dma_start3A_75 = tpu.memref_slice %arg4[%add3A_66, %dma_start3A_74] : memref<819200x128xf32, #tpu.memory_space<hbm>> -> memref<200x128xf32, #tpu.memory_space<hbm>>
    %dma_start3A_76 = arith.constant 0 : i32
    %dma_start3A_77 = arith.constant 0 : i32
    %dma_start3A_78 = tpu.memref_slice %arg6[%dma_start3A_67, %dma_start3A_76, %dma_start3A_77] : memref<4x200x128xf32, #tpu.memory_space<vmem>> -> memref<1x200x128xf32, #tpu.memory_space<vmem>>
    %dma_start3A_79 = tpu.memref_squeeze %dma_start3A_78 : memref<1x200x128xf32, #tpu.memory_space<vmem>> -> memref<200x128xf32, #tpu.memory_space<vmem>>
    tpu.enqueue_dma source(%dma_start3A_79 : memref<200x128xf32, #tpu.memory_space<vmem>>) target(%dma_start3A_75 : memref<200x128xf32, #tpu.memory_space<hbm>>) target_semaphore(%arg11 : memref<!tpu.dma_semaphore, #tpu.memory_space<semaphore_mem>>)
    %dma_wait3A_80 = arith.constant 0 : i32
    %dma_wait3A_81 = arith.constant 0 : i32
    %dma_wait3A_82 = arith.constant 0 : i32
    %dma_wait3A_83 = tpu.memref_slice %arg6[%dma_wait3A_80, %dma_wait3A_81, %dma_wait3A_82] : memref<4x200x128xf32, #tpu.memory_space<vmem>> -> memref<1x200x128xf32, #tpu.memory_space<vmem>>
    %dma_wait3A_84 = tpu.memref_squeeze %dma_wait3A_83 : memref<1x200x128xf32, #tpu.memory_space<vmem>> -> memref<200x128xf32, #tpu.memory_space<vmem>>
    %dma_wait3A_85 = arith.constant 0 : i32
    %dma_wait3A_86 = arith.constant 0 : i32
    %dma_wait3A_87 = tpu.memref_slice %arg4[%dma_wait3A_85, %dma_wait3A_86] : memref<819200x128xf32, #tpu.memory_space<hbm>> -> memref<200x128xf32, #tpu.memory_space<hbm>>
    %dma_wait3A_88 = arith.constant 0 : i32
    %dma_wait3A_89 = arith.constant 0 : i32
    %dma_wait3A_90 = tpu.memref_slice %arg6[%dma_wait3A_80, %dma_wait3A_88, %dma_wait3A_89] : memref<4x200x128xf32, #tpu.memory_space<vmem>> -> memref<1x200x128xf32, #tpu.memory_space<vmem>>
    %dma_wait3A_91 = tpu.memref_squeeze %dma_wait3A_90 : memref<1x200x128xf32, #tpu.memory_space<vmem>> -> memref<200x128xf32, #tpu.memory_space<vmem>>
    %dma_wait3A_92 = arith.constant 0 : i32
    %dma_wait3A_93 = arith.constant 0 : i32
    %dma_wait3A_94 = tpu.memref_slice %arg4[%dma_wait3A_92, %dma_wait3A_93] : memref<819200x128xf32, #tpu.memory_space<hbm>> -> memref<200x128xf32, #tpu.memory_space<hbm>>
    tpu.wait_dma2 semaphore(%arg8 : memref<!tpu.dma_semaphore, #tpu.memory_space<semaphore_mem>>) src(%dma_wait3A_94 : memref<200x128xf32, #tpu.memory_space<hbm>>) dst(%dma_wait3A_91 : memref<200x128xf32, #tpu.memory_space<vmem>>)
    %multiple_of3A_95 = arith.constant 25000 : i32
    %multiple_of3A_96 = tpu.assume_multiple %multiple_of3A_95, 200 : i32
    %add3A_97 = arith.addi %mul3A_2, %multiple_of3A_96 : i32
    %dma_start3A_98 = arith.constant 1 : i32
    %dma_start3A_99 = arith.constant 0 : i32
    %dma_start3A_100 = arith.constant 0 : i32
    %dma_start3A_101 = tpu.memref_slice %arg6[%dma_start3A_98, %dma_start3A_99, %dma_start3A_100] : memref<4x200x128xf32, #tpu.memory_space<vmem>> -> memref<1x200x128xf32, #tpu.memory_space<vmem>>
    %dma_start3A_102 = tpu.memref_squeeze %dma_start3A_101 : memref<1x200x128xf32, #tpu.memory_space<vmem>> -> memref<200x128xf32, #tpu.memory_space<vmem>>
    %dma_start3A_103 = arith.constant 0 : i32
    %dma_start3A_104 = tpu.memref_slice %arg4[%add3A_97, %dma_start3A_103] : memref<819200x128xf32, #tpu.memory_space<hbm>> -> memref<200x128xf32, #tpu.memory_space<hbm>>
    %dma_start3A_105 = arith.constant 0 : i32
    %dma_start3A_106 = tpu.memref_slice %arg4[%add3A_97, %dma_start3A_105] : memref<819200x128xf32, #tpu.memory_space<hbm>> -> memref<200x128xf32, #tpu.memory_space<hbm>>
    %dma_start3A_107 = arith.constant 0 : i32
    %dma_start3A_108 = arith.constant 0 : i32
    %dma_start3A_109 = tpu.memref_slice %arg6[%dma_start3A_98, %dma_start3A_107, %dma_start3A_108] : memref<4x200x128xf32, #tpu.memory_space<vmem>> -> memref<1x200x128xf32, #tpu.memory_space<vmem>>
    %dma_start3A_110 = tpu.memref_squeeze %dma_start3A_109 : memref<1x200x128xf32, #tpu.memory_space<vmem>> -> memref<200x128xf32, #tpu.memory_space<vmem>>
    tpu.enqueue_dma source(%dma_start3A_110 : memref<200x128xf32, #tpu.memory_space<vmem>>) target(%dma_start3A_106 : memref<200x128xf32, #tpu.memory_space<hbm>>) target_semaphore(%arg12 : memref<!tpu.dma_semaphore, #tpu.memory_space<semaphore_mem>>)
    %dma_wait3A_111 = arith.constant 0 : i32
    %dma_wait3A_112 = arith.constant 0 : i32
    %dma_wait3A_113 = arith.constant 0 : i32
    %dma_wait3A_114 = tpu.memref_slice %arg6[%dma_wait3A_111, %dma_wait3A_112, %dma_wait3A_113] : memref<4x200x128xf32, #tpu.memory_space<vmem>> -> memref<1x200x128xf32, #tpu.memory_space<vmem>>
    %dma_wait3A_115 = tpu.memref_squeeze %dma_wait3A_114 : memref<1x200x128xf32, #tpu.memory_space<vmem>> -> memref<200x128xf32, #tpu.memory_space<vmem>>
    %dma_wait3A_116 = arith.constant 0 : i32
    %dma_wait3A_117 = arith.constant 0 : i32
    %dma_wait3A_118 = tpu.memref_slice %arg4[%dma_wait3A_116, %dma_wait3A_117] : memref<819200x128xf32, #tpu.memory_space<hbm>> -> memref<200x128xf32, #tpu.memory_space<hbm>>
    %dma_wait3A_119 = arith.constant 0 : i32
    %dma_wait3A_120 = arith.constant 0 : i32
    %dma_wait3A_121 = tpu.memref_slice %arg6[%dma_wait3A_111, %dma_wait3A_119, %dma_wait3A_120] : memref<4x200x128xf32, #tpu.memory_space<vmem>> -> memref<1x200x128xf32, #tpu.memory_space<vmem>>
    %dma_wait3A_122 = tpu.memref_squeeze %dma_wait3A_121 : memref<1x200x128xf32, #tpu.memory_space<vmem>> -> memref<200x128xf32, #tpu.memory_space<vmem>>
    %dma_wait3A_123 = arith.constant 0 : i32
    %dma_wait3A_124 = arith.constant 0 : i32
    %dma_wait3A_125 = tpu.memref_slice %arg4[%dma_wait3A_123, %dma_wait3A_124] : memref<819200x128xf32, #tpu.memory_space<hbm>> -> memref<200x128xf32, #tpu.memory_space<hbm>>
    tpu.wait_dma2 semaphore(%arg9 : memref<!tpu.dma_semaphore, #tpu.memory_space<semaphore_mem>>) src(%dma_wait3A_125 : memref<200x128xf32, #tpu.memory_space<hbm>>) dst(%dma_wait3A_122 : memref<200x128xf32, #tpu.memory_space<vmem>>)
    %multiple_of3A_126 = arith.constant 25200 : i32
    %multiple_of3A_127 = tpu.assume_multiple %multiple_of3A_126, 200 : i32
    %add3A_128 = arith.addi %mul3A_2, %multiple_of3A_127 : i32
    %dma_start3A_129 = arith.constant 2 : i32
    %dma_start3A_130 = arith.constant 0 : i32
    %dma_start3A_131 = arith.constant 0 : i32
    %dma_start3A_132 = tpu.memref_slice %arg6[%dma_start3A_129, %dma_start3A_130, %dma_start3A_131] : memref<4x200x128xf32, #tpu.memory_space<vmem>> -> memref<1x200x128xf32, #tpu.memory_space<vmem>>
    %dma_start3A_133 = tpu.memref_squeeze %dma_start3A_132 : memref<1x200x128xf32, #tpu.memory_space<vmem>> -> memref<200x128xf32, #tpu.memory_space<vmem>>
    %dma_start3A_134 = arith.constant 0 : i32
    %dma_start3A_135 = tpu.memref_slice %arg4[%add3A_128, %dma_start3A_134] : memref<819200x128xf32, #tpu.memory_space<hbm>> -> memref<200x128xf32, #tpu.memory_space<hbm>>
    %dma_start3A_136 = arith.constant 0 : i32
    %dma_start3A_137 = tpu.memref_slice %arg4[%add3A_128, %dma_start3A_136] : memref<819200x128xf32, #tpu.memory_space<hbm>> -> memref<200x128xf32, #tpu.memory_space<hbm>>
    %dma_start3A_138 = arith.constant 0 : i32
    %dma_start3A_139 = arith.constant 0 : i32
    %dma_start3A_140 = tpu.memref_slice %arg6[%dma_start3A_129, %dma_start3A_138, %dma_start3A_139] : memref<4x200x128xf32, #tpu.memory_space<vmem>> -> memref<1x200x128xf32, #tpu.memory_space<vmem>>
    %dma_start3A_141 = tpu.memref_squeeze %dma_start3A_140 : memref<1x200x128xf32, #tpu.memory_space<vmem>> -> memref<200x128xf32, #tpu.memory_space<vmem>>
    tpu.enqueue_dma source(%dma_start3A_141 : memref<200x128xf32, #tpu.memory_space<vmem>>) target(%dma_start3A_137 : memref<200x128xf32, #tpu.memory_space<hbm>>) target_semaphore(%arg13 : memref<!tpu.dma_semaphore, #tpu.memory_space<semaphore_mem>>)
    %dma_wait3A_142 = arith.constant 0 : i32
    %dma_wait3A_143 = arith.constant 0 : i32
    %dma_wait3A_144 = arith.constant 0 : i32
    %dma_wait3A_145 = tpu.memref_slice %arg6[%dma_wait3A_142, %dma_wait3A_143, %dma_wait3A_144] : memref<4x200x128xf32, #tpu.memory_space<vmem>> -> memref<1x200x128xf32, #tpu.memory_space<vmem>>
    %dma_wait3A_146 = tpu.memref_squeeze %dma_wait3A_145 : memref<1x200x128xf32, #tpu.memory_space<vmem>> -> memref<200x128xf32, #tpu.memory_space<vmem>>
    %dma_wait3A_147 = arith.constant 0 : i32
    %dma_wait3A_148 = arith.constant 0 : i32
    %dma_wait3A_149 = tpu.memref_slice %arg4[%dma_wait3A_147, %dma_wait3A_148] : memref<819200x128xf32, #tpu.memory_space<hbm>> -> memref<200x128xf32, #tpu.memory_space<hbm>>
    %dma_wait3A_150 = arith.constant 0 : i32
    %dma_wait3A_151 = arith.constant 0 : i32
    %dma_wait3A_152 = tpu.memref_slice %arg6[%dma_wait3A_142, %dma_wait3A_150, %dma_wait3A_151] : memref<4x200x128xf32, #tpu.memory_space<vmem>> -> memref<1x200x128xf32, #tpu.memory_space<vmem>>
    %dma_wait3A_153 = tpu.memref_squeeze %dma_wait3A_152 : memref<1x200x128xf32, #tpu.memory_space<vmem>> -> memref<200x128xf32, #tpu.memory_space<vmem>>
    %dma_wait3A_154 = arith.constant 0 : i32
    %dma_wait3A_155 = arith.constant 0 : i32
    %dma_wait3A_156 = tpu.memref_slice %arg4[%dma_wait3A_154, %dma_wait3A_155] : memref<819200x128xf32, #tpu.memory_space<hbm>> -> memref<200x128xf32, #tpu.memory_space<hbm>>
    tpu.wait_dma2 semaphore(%arg10 : memref<!tpu.dma_semaphore, #tpu.memory_space<semaphore_mem>>) src(%dma_wait3A_156 : memref<200x128xf32, #tpu.memory_space<hbm>>) dst(%dma_wait3A_153 : memref<200x128xf32, #tpu.memory_space<vmem>>)
    %multiple_of3A_157 = arith.constant 25400 : i32
    %multiple_of3A_158 = tpu.assume_multiple %multiple_of3A_157, 200 : i32
    %add3A_159 = arith.addi %mul3A_2, %multiple_of3A_158 : i32
    %dma_start3A_160 = arith.constant 3 : i32
    %dma_start3A_161 = arith.constant 0 : i32
    %dma_start3A_162 = arith.constant 0 : i32
    %dma_start3A_163 = tpu.memref_slice %arg6[%dma_start3A_160, %dma_start3A_161, %dma_start3A_162] : memref<4x200x128xf32, #tpu.memory_space<vmem>> -> memref<1x200x128xf32, #tpu.memory_space<vmem>>
    %dma_start3A_164 = tpu.memref_squeeze %dma_start3A_163 : memref<1x200x128xf32, #tpu.memory_space<vmem>> -> memref<200x128xf32, #tpu.memory_space<vmem>>
    %dma_start3A_165 = arith.constant 0 : i32
    %dma_start3A_166 = tpu.memref_slice %arg4[%add3A_159, %dma_start3A_165] : memref<819200x128xf32, #tpu.memory_space<hbm>> -> memref<200x128xf32, #tpu.memory_space<hbm>>
    %dma_start3A_167 = arith.constant 0 : i32
    %dma_start3A_168 = tpu.memref_slice %arg4[%add3A_159, %dma_start3A_167] : memref<819200x128xf32, #tpu.memory_space<hbm>> -> memref<200x128xf32, #tpu.memory_space<hbm>>
    %dma_start3A_169 = arith.constant 0 : i32
    %dma_start3A_170 = arith.constant 0 : i32
    %dma_start3A_171 = tpu.memref_slice %arg6[%dma_start3A_160, %dma_start3A_169, %dma_start3A_170] : memref<4x200x128xf32, #tpu.memory_space<vmem>> -> memref<1x200x128xf32, #tpu.memory_space<vmem>>
    %dma_start3A_172 = tpu.memref_squeeze %dma_start3A_171 : memref<1x200x128xf32, #tpu.memory_space<vmem>> -> memref<200x128xf32, #tpu.memory_space<vmem>>
    tpu.enqueue_dma source(%dma_start3A_172 : memref<200x128xf32, #tpu.memory_space<vmem>>) target(%dma_start3A_168 : memref<200x128xf32, #tpu.memory_space<hbm>>) target_semaphore(%arg14 : memref<!tpu.dma_semaphore, #tpu.memory_space<semaphore_mem>>)
    %dma_wait3A_173 = arith.constant 0 : i32
    %dma_wait3A_174 = arith.constant 0 : i32
    %dma_wait3A_175 = arith.constant 0 : i32
    %dma_wait3A_176 = tpu.memref_slice %arg6[%dma_wait3A_173, %dma_wait3A_174, %dma_wait3A_175] : memref<4x200x128xf32, #tpu.memory_space<vmem>> -> memref<1x200x128xf32, #tpu.memory_space<vmem>>
    %dma_wait3A_177 = tpu.memref_squeeze %dma_wait3A_176 : memref<1x200x128xf32, #tpu.memory_space<vmem>> -> memref<200x128xf32, #tpu.memory_space<vmem>>
    %dma_wait3A_178 = arith.constant 0 : i32
    %dma_wait3A_179 = arith.constant 0 : i32
    %dma_wait3A_180 = tpu.memref_slice %arg4[%dma_wait3A_178, %dma_wait3A_179] : memref<819200x128xf32, #tpu.memory_space<hbm>> -> memref<200x128xf32, #tpu.memory_space<hbm>>
    %dma_wait3A_181 = arith.constant 0 : i32
    %dma_wait3A_182 = arith.constant 0 : i32
    %dma_wait3A_183 = tpu.memref_slice %arg6[%dma_wait3A_173, %dma_wait3A_181, %dma_wait3A_182] : memref<4x200x128xf32, #tpu.memory_space<vmem>> -> memref<1x200x128xf32, #tpu.memory_space<vmem>>
    %dma_wait3A_184 = tpu.memref_squeeze %dma_wait3A_183 : memref<1x200x128xf32, #tpu.memory_space<vmem>> -> memref<200x128xf32, #tpu.memory_space<vmem>>
    %dma_wait3A_185 = arith.constant 0 : i32
    %dma_wait3A_186 = arith.constant 0 : i32
    %dma_wait3A_187 = tpu.memref_slice %arg4[%dma_wait3A_185, %dma_wait3A_186] : memref<819200x128xf32, #tpu.memory_space<hbm>> -> memref<200x128xf32, #tpu.memory_space<hbm>>
    tpu.wait_dma2 semaphore(%arg11 : memref<!tpu.dma_semaphore, #tpu.memory_space<semaphore_mem>>) src(%dma_wait3A_187 : memref<200x128xf32, #tpu.memory_space<hbm>>) dst(%dma_wait3A_184 : memref<200x128xf32, #tpu.memory_space<vmem>>)
    %dma_wait3A_188 = arith.constant 0 : i32
    %dma_wait3A_189 = arith.constant 0 : i32
    %dma_wait3A_190 = arith.constant 0 : i32
    %dma_wait3A_191 = tpu.memref_slice %arg6[%dma_wait3A_188, %dma_wait3A_189, %dma_wait3A_190] : memref<4x200x128xf32, #tpu.memory_space<vmem>> -> memref<1x200x128xf32, #tpu.memory_space<vmem>>
    %dma_wait3A_192 = tpu.memref_squeeze %dma_wait3A_191 : memref<1x200x128xf32, #tpu.memory_space<vmem>> -> memref<200x128xf32, #tpu.memory_space<vmem>>
    %dma_wait3A_193 = arith.constant 0 : i32
    %dma_wait3A_194 = arith.constant 0 : i32
    %dma_wait3A_195 = tpu.memref_slice %arg4[%dma_wait3A_193, %dma_wait3A_194] : memref<819200x128xf32, #tpu.memory_space<hbm>> -> memref<200x128xf32, #tpu.memory_space<hbm>>
    %dma_wait3A_196 = arith.constant 0 : i32
    %dma_wait3A_197 = arith.constant 0 : i32
    %dma_wait3A_198 = tpu.memref_slice %arg6[%dma_wait3A_188, %dma_wait3A_196, %dma_wait3A_197] : memref<4x200x128xf32, #tpu.memory_space<vmem>> -> memref<1x200x128xf32, #tpu.memory_space<vmem>>
    %dma_wait3A_199 = tpu.memref_squeeze %dma_wait3A_198 : memref<1x200x128xf32, #tpu.memory_space<vmem>> -> memref<200x128xf32, #tpu.memory_space<vmem>>
    %dma_wait3A_200 = arith.constant 0 : i32
    %dma_wait3A_201 = arith.constant 0 : i32
    %dma_wait3A_202 = tpu.memref_slice %arg4[%dma_wait3A_200, %dma_wait3A_201] : memref<819200x128xf32, #tpu.memory_space<hbm>> -> memref<200x128xf32, #tpu.memory_space<hbm>>
    tpu.wait_dma2 semaphore(%arg12 : memref<!tpu.dma_semaphore, #tpu.memory_space<semaphore_mem>>) src(%dma_wait3A_202 : memref<200x128xf32, #tpu.memory_space<hbm>>) dst(%dma_wait3A_199 : memref<200x128xf32, #tpu.memory_space<vmem>>)
    %dma_wait3A_203 = arith.constant 0 : i32
    %dma_wait3A_204 = arith.constant 0 : i32
    %dma_wait3A_205 = arith.constant 0 : i32
    %dma_wait3A_206 = tpu.memref_slice %arg6[%dma_wait3A_203, %dma_wait3A_204, %dma_wait3A_205] : memref<4x200x128xf32, #tpu.memory_space<vmem>> -> memref<1x200x128xf32, #tpu.memory_space<vmem>>
    %dma_wait3A_207 = tpu.memref_squeeze %dma_wait3A_206 : memref<1x200x128xf32, #tpu.memory_space<vmem>> -> memref<200x128xf32, #tpu.memory_space<vmem>>
    %dma_wait3A_208 = arith.constant 0 : i32
    %dma_wait3A_209 = arith.constant 0 : i32
    %dma_wait3A_210 = tpu.memref_slice %arg4[%dma_wait3A_208, %dma_wait3A_209] : memref<819200x128xf32, #tpu.memory_space<hbm>> -> memref<200x128xf32, #tpu.memory_space<hbm>>
    %dma_wait3A_211 = arith.constant 0 : i32
    %dma_wait3A_212 = arith.constant 0 : i32
    %dma_wait3A_213 = tpu.memref_slice %arg6[%dma_wait3A_203, %dma_wait3A_211, %dma_wait3A_212] : memref<4x200x128xf32, #tpu.memory_space<vmem>> -> memref<1x200x128xf32, #tpu.memory_space<vmem>>
    %dma_wait3A_214 = tpu.memref_squeeze %dma_wait3A_213 : memref<1x200x128xf32, #tpu.memory_space<vmem>> -> memref<200x128xf32, #tpu.memory_space<vmem>>
    %dma_wait3A_215 = arith.constant 0 : i32
    %dma_wait3A_216 = arith.constant 0 : i32
    %dma_wait3A_217 = tpu.memref_slice %arg4[%dma_wait3A_215, %dma_wait3A_216] : memref<819200x128xf32, #tpu.memory_space<hbm>> -> memref<200x128xf32, #tpu.memory_space<hbm>>
    tpu.wait_dma2 semaphore(%arg13 : memref<!tpu.dma_semaphore, #tpu.memory_space<semaphore_mem>>) src(%dma_wait3A_217 : memref<200x128xf32, #tpu.memory_space<hbm>>) dst(%dma_wait3A_214 : memref<200x128xf32, #tpu.memory_space<vmem>>)
    %dma_wait3A_218 = arith.constant 0 : i32
    %dma_wait3A_219 = arith.constant 0 : i32
    %dma_wait3A_220 = arith.constant 0 : i32
    %dma_wait3A_221 = tpu.memref_slice %arg6[%dma_wait3A_218, %dma_wait3A_219, %dma_wait3A_220] : memref<4x200x128xf32, #tpu.memory_space<vmem>> -> memref<1x200x128xf32, #tpu.memory_space<vmem>>
    %dma_wait3A_222 = tpu.memref_squeeze %dma_wait3A_221 : memref<1x200x128xf32, #tpu.memory_space<vmem>> -> memref<200x128xf32, #tpu.memory_space<vmem>>
    %dma_wait3A_223 = arith.constant 0 : i32
    %dma_wait3A_224 = arith.constant 0 : i32
    %dma_wait3A_225 = tpu.memref_slice %arg4[%dma_wait3A_223, %dma_wait3A_224] : memref<819200x128xf32, #tpu.memory_space<hbm>> -> memref<200x128xf32, #tpu.memory_space<hbm>>
    %dma_wait3A_226 = arith.constant 0 : i32
    %dma_wait3A_227 = arith.constant 0 : i32
    %dma_wait3A_228 = tpu.memref_slice %arg6[%dma_wait3A_218, %dma_wait3A_226, %dma_wait3A_227] : memref<4x200x128xf32, #tpu.memory_space<vmem>> -> memref<1x200x128xf32, #tpu.memory_space<vmem>>
    %dma_wait3A_229 = tpu.memref_squeeze %dma_wait3A_228 : memref<1x200x128xf32, #tpu.memory_space<vmem>> -> memref<200x128xf32, #tpu.memory_space<vmem>>
    %dma_wait3A_230 = arith.constant 0 : i32
    %dma_wait3A_231 = arith.constant 0 : i32
    %dma_wait3A_232 = tpu.memref_slice %arg4[%dma_wait3A_230, %dma_wait3A_231] : memref<819200x128xf32, #tpu.memory_space<hbm>> -> memref<200x128xf32, #tpu.memory_space<hbm>>
    tpu.wait_dma2 semaphore(%arg14 : memref<!tpu.dma_semaphore, #tpu.memory_space<semaphore_mem>>) src(%dma_wait3A_232 : memref<200x128xf32, #tpu.memory_space<hbm>>) dst(%dma_wait3A_229 : memref<200x128xf32, #tpu.memory_space<vmem>>)
    return
  }
}

</mosaic_0001>

<sc_bundles>
// kernel: kernel.3.cloned.1.call-start
scs
__scs_entry_jumppad:
0x0: {  	(pc) =	sbr.rel $0x88, $3  }
0x1: {  	(tag) =	ssettag $0x0;
	lr =	simm.s32 $0x1  }
0x2: {  	[smem:$0x3F9F] =	sst lr;
	_ =	strace $0xD0000000  }
0x3: {  	_ = 	snop  }
0x4: {  	_ = 	snop  }
0x5: {  	_ = 	snop  }
0x6: {  	_ = 	snop  }
0x7: {  	_ = 	snop  }
__scs_overlays_trampoline_lowered:
0x8: {  	[smem:$0x3FAE] =	sst s0  }
0x9: {  	[smem:$0x3FAF] =	sst s1  }
0xa: {  	[smem:$0x3FB0] =	sst s2  }
0xb: {  	[smem:$0x3FB1] =	sst s3  }
0xc: {  	[smem:$0x3FB2] =	sst s4  }
0xd: {  	[smem:$0x3FB3] =	sst s5  }
0xe: {  	[smem:$0x3FB4] =	sst s6  }
0xf: {  	[smem:$0x3FB5] =	sst s7  }
0x10: {  	[smem:$0x3FB6] =	sst s8  }
0x11: {  	[smem:$0x3FB7] =	sst s9;
	s0 =	simm.s32 @!p0 $0x0  }
0x12: {  	s1 =	sld [smem:$0x3F9D];
	s0 =	simm.s32 @p0 $0x1  }
0x13: {  	[smem:$0x3FB8] =	sst s0;
	s0 =	simm.s32 @!p1 $0x0  }
0x14: {  	s2 =	sld [smem:$0x3F9C];
	s0 =	simm.s32 @p1 $0x1  }
0x15: {  	[smem:$0x3FB9] =	sst s0;
	s0 =	simm.s32 @!p2 $0x0  }
0x16: {  	s3 =	sld [smem:$0x3FDB];
	s0 =	simm.s32 @p2 $0x1  }
0x17: {  	s4 =	simm.s32 $0x1BF5;
	[smem:$0x3FBB] =	sst s0  }
0x18: {  	s0 =	sld [smem:$0x3F9E];
	_ =	swait.ge [sflag:s4], $0x0  }
0x19: {  	s7 =	sld [smem:$0x3F9F]  }
0x1a: {  	s8 =	sadd.s32 $0xFFFFE003, lr  }
0x1b: {  	s9 =	sadd.s32 $0xFFFFFEF7, lr;
	s5 =	simm.s32 $0xFFFFFFFF;
	p2 =	slt.u32 s8, $0xFFFFF086  }
0x1c: {  	p1 =	slt.u32 s9, $0xF7A;
	s5 =	simm.s32 @!p2 $0x0  }
0x1d: {  	s5 =	simm.s32 @p1 $0x1;
	p0 =	seq.s32 s7, s2  }
0x1e: {  	s7 =	smul.u32 @!p0 $0xF7A, s2;
	p2 =	seq.s32 @!p0 s5, $0x0  }
0x1f: {  	s9 =	smul.u32 $0xF7A, s1;
	s8 =	simm.s32 @!p0 $0x1BF5;
	p2 =	por !p2, p0  }
0x20: {  	[sflag:s8] =	ssyncset.s32 @!p0 $0xFFFFF086;
	s6 =	sadd.s32 @!p0 s3, s7;
	s7 =	simm.s32 @!p0 $0x108  }
0x21: {  	s3 =	sadd.s32 s3, s9;
	s6 =	sadd.s32 @!p0 $0x88, s6;
	s7 =	simm.s32 @p2 $0x1082  }
0x22: {  	[simem:s7], [sflag:s8] =	dma.local @!p0 [hbm:s6], $0xF7A  }
0x23: {  	s9 =	sor.u32 $0xD0000000, s2;
	s6 =	simm.s32 $0x108;
	_ =	swait.ge @!p0 [sflag:s8], $0x0  }
0x24: {  	s3 =	sadd.s32 $0x88, s3;
	s6 =	simm.s32 @!p1 $0x1082;
	[sflag:s4] =	ssyncset.s32 $0xFFFFF086  }
0x25: {  	[simem:s6], [sflag:s4] =	dma.local [hbm:s3], $0xF7A  }
0x26: {  	[smem:$0x3F9F] =	sst s1;
	(tag) =	ssettag s2;
	_ =	strace s9  }
0x27: {  	s1 =	sld [smem:$0x3FAF]  }
0x28: {  	s2 =	sld [smem:$0x3FB0]  }
0x29: {  	s4 =	sld [smem:$0x3FB2]  }
0x2a: {  	p0 =	seq.s32 s5, $0x0;
	s5 =	sld [smem:$0x3FB3]  }
0x2b: {  	s6 =	sld [smem:$0x3FB4]  }
0x2c: {  	s7 =	sld [smem:$0x3FB5]  }
0x2d: {  	s3 =	simm.s32 $0x108;
	s8 =	sld [smem:$0x3FB6]  }
0x2e: {  	s3 =	simm.s32 @!p0 $0x1082;
	s9 =	sld [smem:$0x3FB7]  }
0x2f: {  	lr =	sadd.s32 s0, s3;
	s0 =	sld [smem:$0x3FAE]  }
0x30: {  	s3 =	sld [smem:$0x3FB1]  }
0x31: {  	[smem:$0x3FBA] =	sst s10  }
0x32: {  	s10 =	sld [smem:$0x3FB8];
	_ =	sdelay $0x3  }
0x33: {  	p0 =	seq.s32 s10, $0x1;
	s10 =	sld [smem:$0x3FBA];
	_ =	sdelay $0x3  }
0x34: {  	[smem:$0x3FBA] =	sst s10  }
0x35: {  	s10 =	sld [smem:$0x3FB9];
	_ =	sdelay $0x3  }
0x36: {  	p1 =	seq.s32 s10, $0x1;
	s10 =	sld [smem:$0x3FBA];
	_ =	sdelay $0x3  }
0x37: {  	[smem:$0x3FBA] =	sst s10  }
0x38: {  	s10 =	sld [smem:$0x3FBB]  }
0x39: {  	_ = 	snop;
	(pc) =	sbr.ind lr, $3  }
0x3a: {  	_ = 	snop  }
0x3b: {  	_ = 	snop  }
0x3c: {  	p2 =	seq.s32 s10, $0x1;
	s10 =	sld [smem:$0x3FBA]  }
0x3d: {  	_ =	shalt  }
0x3e: {  	_ =	shalt  }
0x3f: {  	_ =	shalt  }
0x40: {  	_ =	shalt  }
0x41: {  	_ =	shalt  }
0x42: {  	_ =	shalt  }
0x43: {  	_ =	shalt  }
0x44: {  	_ =	shalt  }
0x45: {  	_ =	shalt  }
0x46: {  	_ =	shalt  }
0x47: {  	_ =	shalt  }
0x48: {  	_ =	shalt  }
0x49: {  	_ =	shalt  }
0x4a: {  	_ =	shalt  }
0x4b: {  	_ =	shalt  }
0x4c: {  	_ =	shalt  }
0x4d: {  	_ =	shalt  }
0x4e: {  	_ =	shalt  }
0x4f: {  	_ =	shalt  }
0x50: {  	_ =	shalt  }
0x51: {  	_ =	shalt  }
0x52: {  	_ =	shalt  }
0x53: {  	_ =	shalt  }
0x54: {  	_ =	shalt  }
0x55: {  	_ =	shalt  }
0x56: {  	_ =	shalt  }
0x57: {  	_ =	shalt  }
0x58: {  	_ =	shalt  }
0x59: {  	_ =	shalt  }
0x5a: {  	_ =	shalt  }
0x5b: {  	_ =	shalt  }
0x5c: {  	_ =	shalt  }
0x5d: {  	_ =	shalt  }
0x5e: {  	_ =	shalt  }
0x5f: {  	_ =	shalt  }
0x60: {  	_ =	shalt  }
0x61: {  	_ =	shalt  }
0x62: {  	_ =	shalt  }
0x63: {  	_ =	shalt  }
0x64: {  	_ =	shalt  }
0x65: {  	_ =	shalt  }
0x66: {  	_ =	shalt  }
0x67: {  	_ =	shalt  }
0x68: {  	_ =	shalt  }
0x69: {  	_ =	shalt  }
0x6a: {  	_ =	shalt  }
0x6b: {  	_ =	shalt  }
0x6c: {  	_ =	shalt  }
0x6d: {  	_ =	shalt  }
0x6e: {  	_ =	shalt  }
0x6f: {  	_ =	shalt  }
0x70: {  	_ =	shalt  }
0x71: {  	_ =	shalt  }
0x72: {  	_ =	shalt  }
0x73: {  	_ =	shalt  }
0x74: {  	_ =	shalt  }
0x75: {  	_ =	shalt  }
0x76: {  	_ =	shalt  }
0x77: {  	_ =	shalt  }
0x78: {  	_ =	shalt  }
0x79: {  	_ =	shalt  }
0x7a: {  	_ =	shalt  }
0x7b: {  	_ =	shalt  }
0x7c: {  	_ =	shalt  }
0x7d: {  	_ =	shalt  }
0x7e: {  	_ =	shalt  }
0x7f: {  	_ =	shalt  }
0x80: {  	_ =	shalt  }
0x81: {  	_ =	shalt  }
0x82: {  	_ =	shalt  }
0x83: {  	_ =	shalt  }
0x84: {  	_ =	shalt  }
0x85: {  	_ =	shalt  }
0x86: {  	_ =	shalt  }
0x87: {  	_ =	shalt  }
.Lfunc_end0:
.L_simem_size_0:
called_computation_lowered:
.L_overlay_start_0:
0x88: {  	s2 =	sld [smem:$0x3FD9]  }
0x89: {  	s3 =	sld [smem:$0x3FFE];
	_ =	sdelay $0x1  }
0x8a: {  	s1 =	srdreg.scid  }
0x8b: {  	s0 =	sand.u32 $0x1, s1  }
0x8c: {  	s17 =	sshll.u32 s0, $0xA;
	s2 =	sadd.s32 s3, s2  }
0x8d: {  	s2 =	sadd.s32 s2, s17  }
0x8e: {  	[smem:$0x3FC6] =	sst s2  }
0x8f: {  	_ = 	snop  }
0x90: {  	s2 =	sld [smem:$0x3FC8]  }
0x91: {  	s18 =	sld [smem:$0x3FD0];
	(tm) =	ssettm $0x1  }
0x92: {  	s4 =	sld [smem:$0x3FFB];
	_ =	sdelay $0x3  }
0x93: {  	_ =	strace s4  }
0x94: {  	s4 =	sld [smem:$0x3FFC];
	_ =	sdelay $0x3  }
0x95: {  	_ =	strace s4  }
0x96: {  	s4 =	sld [smem:$0x3FFD];
	_ =	sdelay $0x3  }
0x97: {  	_ =	strace s4  }
0x98: {  	_ =	strace $0x8FFFFFFF  }
0x99: {  	s19 =	sld [smem:$0x3FDB];
	_ =	sdelay $0x1  }
0x9a: {  	s5 =	simm.s32 $_scs_section_size  }
0x9b: {  	s6 =	simm.s32 $_size__tile_overlayer_lowered;
	s7 =	simm.s32 $_tile_overlayer_lowered  }
0x9c: {  	s22 =	simm.s32 $0x1BFF;
	s21 =	sshll.u32 s7, $0x1;
	s4 =	sadd.s32 s5, s19  }
0x9d: {  	s8 =	simm.s32 $0x0;
	s20 =	sshll.u32 s6, $0x1;
	s6 =	sadd.s32 s21, s4  }
0x9e: {  	[timem:s8], [sflag:s22] =	dma.local [hbm:s6], s20  }
0x9f: {  	_ =	swait.ge [sflag:s22], s20  }
0xa0: {  	s5 =	ssub.s32 $0x0, s20;
	[sflag:s22] =	ssyncset.done $0x0  }
0xa1: {  	[sflag:s22] =	ssyncadd.s32 s5;
	_ =	sdelay $0x1  }
0xa2: {  	s23 =	simm.s32 $0x1B8B  }
0xa3: {  	_ =	swait.ge [sflag:s23], $0x1  }
0xa4: {  	[sflag:s23] =	ssyncset.done $0x0  }
0xa5: {  	s25 =	simm.s32 $0x1B8E;
	s24 =	sld [smem:$0x3FFE];
	[sflag:s23] =	ssyncadd.s32 $0xFFFFFFFF  }
0xa6: {  	s26 =	simm.s32 $execute0_lowered;
	[smem:$0x3FD2] =	sst s25  }
0xa7: {  	s6 =	sshll.u32 s26, $0x1;
	_ =	strace $0x80000046;
	[dreg:$0x1] =	wrdreg $0xFFFFFFFF  }
0xa8: {  	s28 =	simm.s32 $_size_execute0_lowered;
	s4 =	sadd.s32 s4, s6;
	[dreg:$0x0] =	wrdreg $0x0  }
0xa9: {  	s6 =	sshll.u32 s28, $0x1;
	[dreg:$0x2] =	wrdreg s4  }
0xaa: {  	[dreg:$0x3] =	wrdreg s6  }
0xab: {  	[dreg:$0x4] =	wrdreg $0xC0  }
0xac: {  	_ =	task [dreg:s8], $0x5FFFF  }
0xad: {  	[dreg:$0x1] =	wrdreg $0xFFFFFFFF  }
0xae: {  	[dreg:$0x0] =	wrdreg $0x60  }
0xaf: {  	[dreg:$0x2] =	wrdreg s24  }
0xb0: {  	[dreg:$0x3] =	wrdreg s2  }
0xb1: {  	[dreg:$0x4] =	wrdreg s18  }
0xb2: {  	[dreg:$0x5] =	wrdreg $0x9  }
0xb3: {  	_ =	task.clear_ibuf [dreg:s8], $0x6FFFF;
	_ =	strace $0x90000046  }
0xb4: {  	s29 =	simm.s32 $0x9;
	_ =	strace $0x80000048  }
0xb5: {  	_ =	swait.ge [sflag:s29], $0x1  }
0xb6: {  	[sflag:s29] =	ssyncadd.s32 $0xFFFFFFFF  }
0xb7: {  	_ =	strace $0x90000048  }
0xb8: {  	_ =	sfence  }
0xb9: {  	s30 =	sld [smem:$0x0];
	_ =	sdelay $0x2  }
0xba: {  	s31 =	sshll.u32 s1, $0xD;
	s1 =	sshrl.u32 s1, $0x2  }
0xbb: {  	s3 =	sand.u32 $0x4000, s31;
	s1 =	sadd.s32 s1, s30  }
0xbc: {  	s0 =	sor.u32 s3, s0;
	s1 =	sshll.u32 s1, $0x11  }
0xbd: {  	s0 =	sor.u32 s1, s0  }
0xbe: {  	s0 =	sadd.s32 $0x8F2B, s0  }
0xbf: {  	[sflag:s0] =	ssyncadd.remote.s32 $0x1  }
0xc0: {  	_ =	sfence.sel $0xFFFF  }
0xc1: {  	[dreg:$0x0] =	wrdreg $0xFFFFFFFF;
	(pc) =	sbr.abs _section_cstart, $3  }
0xc2: {  	[dreg:$0x1] =	wrdreg $0xFFFFFFFF  }
0xc3: {  	_ =	task.clear_ibuf [dreg:s8], $0x2FFFF;
	_ =	strace $0x9FFFFFFF  }
0xc4: {  	(tm) =	ssettm $0x7FFFFFFF  }
0xc5: {  	_ =	shalt  }
tec
execute0_lowered:
.L_overlay_start_1:
0x0: {  	(tag) =	ssettag $0x1  }
0x1: {  	s4 =	rddreg [dreg:$0x0]  }
0x2: {  	s1 =	srdreg.scid;
	s2 =	rddreg [dreg:$0x1]  }
0x3: {  	s0 =	stileid.u32;
	s8 =	rddreg [dreg:$0x2];
	s3 =	simm.s32 $0x0  }
0x4: {  	s13 =	simm.s32 $0x6400;
	s14 =	simm.s32 $0xC800;
	s15 =	simm.s32 $0x190  }
0x5: {  	s16 =	simm.s32 $0x12C00;
	s17 =	simm.s32 $0x258;
	s18 =	simm.s32 $0x19000  }
0x6: {  	s19 =	simm.s32 $0x1;
	s20 =	simm.s32 $0x2;
	s21 =	simm.s32 $0x3  }
0x7: {  	s22 =	simm.s32 $0x4;
	s23 =	simm.s32 $0x5;
	s24 =	simm.s32 $0x6  }
0x8: {  	s25 =	simm.s32 $0x7;
	s26 =	simm.s32 $0x8;
	s28 =	simm.s32 $0x0  }
0x9: {  	s6 =	sand.u32 $0x1, s1;
	s29 =	sshll.u32 s0, $0x1;
	s11 =	smul.u32 $0xC8000, s0  }
0xa: {  	[smem:$0x7FF] =	sst s3;
	s5 =	sor.u32 s6, s29;
	s12 =	smul.u32 $0x64000, s6  }
0xb: {  	_ =	strace $0x80000047;
	s9 =	ssub.s32 $0x2, s6;
	s7 =	smul.u32 $0x6400, s5  }
0xc: {  	s5 =	smul.u32 $0x320000, s5;
	s30 =	sshrl.u32 s9, $0x1;
	s11 =	sadd.s32 s11, s8  }
0xd: {  	s9 =	ssub.s32 s9, s30;
	s31 =	sadd.s32 s12, s11;
	s11 =	simm.s32 $0x9  }
0xe: {  	s12 =	simm.s32 $0xC8;
	s7 =	sshrl.u32 s7, $0x3;
	s5 =	sshrl.u32 s5, $0x3  }
0xf: {  	s9 =	smax.u32 s9, $0x1;
	s4 =	sadd.s32 s7, s4;
	s10 =	sadd.s32 s8, s5  }
0x10: {  	s4 =	sadd.s32 $0x400, s4;
	s5 =	sadd.s32 $0x60E00, s10;
	s6 =	sadd.s32 $0x61A80, s10  }
0x11: {  	s7 =	sadd.s32 $0x62700, s10;
	s8 =	sadd.s32 $0x63380, s10;
	s10 =	sadd.s32 $0x2580, s31  }
.LBB2_1:
0x12: {  	[tilespmem:s3], [sflag:$0x9] =	stream.linear.gather [hbm4b:s4+s3], $0x6400, $0x38;
	[tilespmem:$0x1F400] =	vst v63  }
0x13: {  	_ =	swait.ge [sflag:s11], $0x6400  }
0x14: {  	[sflag:s11] =	ssyncset.done $0x0  }
0x15: {  	[sflag:s11] =	ssyncadd.s32 $0xFFFF9C00  }
0x16: {  	[tilespmem:s13], [sflag:$0x1] =	stream.indirect.gather [hbm4b:s2+s12], $0x80, s3, s12, $0xb8;
	[tilespmem:$0x1F400] =	vst v63  }
0x17: {  	_ = 	snop  }
0x18: {  	[tilespmem:s14], [sflag:$0x2] =	stream.indirect.gather [hbm4b:s2+s12], $0x80, s12, s12, $0xb8;
	[tilespmem:$0x1F400] =	vst v63  }
0x19: {  	_ = 	snop  }
0x1a: {  	[tilespmem:s16], [sflag:$0x3] =	stream.indirect.gather [hbm4b:s2+s12], $0x80, s15, s12, $0xb8;
	[tilespmem:$0x1F400] =	vst v63  }
0x1b: {  	_ = 	snop  }
0x1c: {  	[tilespmem:s18], [sflag:$0x4] =	stream.indirect.gather [hbm4b:s2+s12], $0x80, s17, s12, $0xb8;
	[tilespmem:$0x1F400] =	vst v63  }
0x1d: {  	_ =	swait.ge [sflag:s19], $0x6400  }
0x1e: {  	[sflag:s19] =	ssyncset.done $0x0  }
0x1f: {  	s29 =	sadd.s32 $0xFFFFDA80, s10;
	[sflag:s19] =	ssyncadd.s32 $0xFFFF9C00  }
0x20: {  	[hbm4b:s29+s3] =	stream.linear.scatter [tilespmem:s13], [sflag:$0x5], $0x6400, $0x38;
	[tilespmem:$0x1F400] =	vst v63  }
0x21: {  	_ =	swait.ge [sflag:s20], $0x6400  }
0x22: {  	[sflag:s20] =	ssyncset.done $0x0  }
0x23: {  	s29 =	sadd.s32 $0xFFFFE700, s10;
	[sflag:s20] =	ssyncadd.s32 $0xFFFF9C00  }
0x24: {  	[hbm4b:s29+s3] =	stream.linear.scatter [tilespmem:s14], [sflag:$0x6], $0x6400, $0x38;
	[tilespmem:$0x1F400] =	vst v63  }
0x25: {  	_ =	swait.ge [sflag:s21], $0x6400  }
0x26: {  	[sflag:s21] =	ssyncset.done $0x0  }
0x27: {  	s29 =	sadd.s32 $0xFFFFF380, s10;
	[sflag:s21] =	ssyncadd.s32 $0xFFFF9C00  }
0x28: {  	[hbm4b:s29+s3] =	stream.linear.scatter [tilespmem:s16], [sflag:$0x7], $0x6400, $0x38;
	[tilespmem:$0x1F400] =	vst v63  }
0x29: {  	_ =	swait.ge [sflag:s22], $0x6400  }
0x2a: {  	[sflag:s22] =	ssyncset.done $0x0  }
0x2b: {  	[sflag:s22] =	ssyncadd.s32 $0xFFFF9C00  }
0x2c: {  	[hbm4b:s10+s3] =	stream.linear.scatter [tilespmem:s18], [sflag:$0x8], $0x6400, $0x38;
	[tilespmem:$0x1F400] =	vst v63  }
0x2d: {  	_ =	swait.ge [sflag:s23], $0x6400  }
0x2e: {  	[sflag:s23] =	ssyncset.done $0x0  }
0x2f: {  	s29 =	simm.s32 $0x320;
	[sflag:s23] =	ssyncadd.s32 $0xFFFF9C00  }
0x30: {  	[tilespmem:s13], [sflag:$0x1] =	stream.indirect.gather [hbm4b:s2+s12], $0x80, s29, s12, $0xb8;
	[tilespmem:$0x1F400] =	vst v63  }
0x31: {  	_ =	swait.ge [sflag:s24], $0x6400  }
0x32: {  	[sflag:s24] =	ssyncset.done $0x0  }
0x33: {  	s29 =	simm.s32 $0x3E8;
	[sflag:s24] =	ssyncadd.s32 $0xFFFF9C00  }
0x34: {  	[tilespmem:s14], [sflag:$0x2] =	stream.indirect.gather [hbm4b:s2+s12], $0x80, s29, s12, $0xb8;
	[tilespmem:$0x1F400] =	vst v63  }
0x35: {  	_ =	swait.ge [sflag:s25], $0x6400  }
0x36: {  	[sflag:s25] =	ssyncset.done $0x0  }
0x37: {  	s29 =	simm.s32 $0x4B0;
	[sflag:s25] =	ssyncadd.s32 $0xFFFF9C00  }
0x38: {  	[tilespmem:s16], [sflag:$0x3] =	stream.indirect.gather [hbm4b:s2+s12], $0x80, s29, s12, $0xb8;
	[tilespmem:$0x1F400] =	vst v63  }
0x39: {  	_ =	swait.ge [sflag:s26], $0x6400  }
0x3a: {  	s31 =	simm.s32 $0x578;
	[sflag:s26] =	ssyncset.done $0x0  }
0x3b: {  	s30 =	sadd.s32 $0x3200, s10;
	s29 =	simm.s32 $0xC80;
	[sflag:s26] =	ssyncadd.s32 $0xFFFF9C00  }
.LBB2_2:
0x3c: {  	[tilespmem:s18], [sflag:$0x4] =	stream.indirect.gather [hbm4b:s2+s12], $0x80, s31, s12, $0xb8;
	[tilespmem:$0x1F400] =	vst v63  }
0x3d: {  	s31 =	smov.u32 s29  }
0x3e: {  	p0 =	sne.s32 s29, $0x17700;
	s29 =	sadd.s32 $0xC80, s29;
	_ =	swait.ge [sflag:s19], $0x6400  }
0x3f: {  	[sflag:s19] =	ssyncset.done $0x0  }
0x40: {  	s1 =	sadd.s32 $0xFFFFDA80, s30;
	[sflag:s19] =	ssyncadd.s32 $0xFFFF9C00  }
0x41: {  	[hbm4b:s1+s3] =	stream.linear.scatter [tilespmem:s13], [sflag:$0x5], $0x6400, $0x38;
	[tilespmem:$0x1F400] =	vst v63  }
0x42: {  	_ =	swait.ge [sflag:s20], $0x6400  }
0x43: {  	[sflag:s20] =	ssyncset.done $0x0  }
0x44: {  	s1 =	sadd.s32 $0xFFFFE700, s30;
	[sflag:s20] =	ssyncadd.s32 $0xFFFF9C00  }
0x45: {  	[hbm4b:s1+s3] =	stream.linear.scatter [tilespmem:s14], [sflag:$0x6], $0x6400, $0x38;
	[tilespmem:$0x1F400] =	vst v63  }
0x46: {  	_ =	swait.ge [sflag:s21], $0x6400  }
0x47: {  	[sflag:s21] =	ssyncset.done $0x0  }
0x48: {  	s1 =	sadd.s32 $0xFFFFF380, s30;
	[sflag:s21] =	ssyncadd.s32 $0xFFFF9C00  }
0x49: {  	[hbm4b:s1+s3] =	stream.linear.scatter [tilespmem:s16], [sflag:$0x7], $0x6400, $0x38;
	[tilespmem:$0x1F400] =	vst v63  }
0x4a: {  	_ =	swait.ge [sflag:s22], $0x6400  }
0x4b: {  	[sflag:s22] =	ssyncset.done $0x0  }
0x4c: {  	[sflag:s22] =	ssyncadd.s32 $0xFFFF9C00  }
0x4d: {  	[hbm4b:s30+s3] =	stream.linear.scatter [tilespmem:s18], [sflag:$0x8], $0x6400, $0x38;
	[tilespmem:$0x1F400] =	vst v63  }
0x4e: {  	_ =	swait.ge [sflag:s23], $0x6400  }
0x4f: {  	s1 =	sshra.s32 s31, $0x2;
	[sflag:s23] =	ssyncset.done $0x0  }
0x50: {  	s31 =	sadd.s32 $0x320, s1;
	[sflag:s23] =	ssyncadd.s32 $0xFFFF9C00  }
0x51: {  	[tilespmem:s13], [sflag:$0x1] =	stream.indirect.gather [hbm4b:s2+s12], $0x80, s31, s12, $0xb8;
	[tilespmem:$0x1F400] =	vst v63  }
0x52: {  	_ =	swait.ge [sflag:s24], $0x6400  }
0x53: {  	[sflag:s24] =	ssyncset.done $0x0  }
0x54: {  	s31 =	sadd.s32 $0x3E8, s1;
	[sflag:s24] =	ssyncadd.s32 $0xFFFF9C00  }
0x55: {  	[tilespmem:s14], [sflag:$0x2] =	stream.indirect.gather [hbm4b:s2+s12], $0x80, s31, s12, $0xb8;
	[tilespmem:$0x1F400] =	vst v63  }
0x56: {  	_ =	swait.ge [sflag:s25], $0x6400  }
0x57: {  	[sflag:s25] =	ssyncset.done $0x0  }
.Ltmp0:
0x58: {  	s31 =	sadd.s32 $0x4B0, s1;
	[sflag:s25] =	ssyncadd.s32 $0xFFFF9C00;
	(pc) =	sbr.rel @p0 .LBB2_2-.Ltmp0, $4  }
0x59: {  	[tilespmem:s16], [sflag:$0x3] =	stream.indirect.gather [hbm4b:s2+s12], $0x80, s31, s12, $0xb8;
	[tilespmem:$0x1F400] =	vst v63  }
0x5a: {  	_ =	swait.ge [sflag:s26], $0x6400  }
0x5b: {  	[sflag:s26] =	ssyncset.done $0x0  }
0x5c: {  	s30 =	sadd.s32 $0x3200, s30;
	s31 =	sadd.s32 $0x578, s1;
	[sflag:s26] =	ssyncadd.s32 $0xFFFF9C00  }
0x5d: {  	[tilespmem:s18], [sflag:$0x4] =	stream.indirect.gather [hbm4b:s2+s12], $0x80, s31, s12, $0xb8;
	[tilespmem:$0x1F400] =	vst v63  }
0x5e: {  	_ =	swait.ge [sflag:s19], $0x6400  }
0x5f: {  	[sflag:s19] =	ssyncset.done $0x0  }
0x60: {  	[sflag:s19] =	ssyncadd.s32 $0xFFFF9C00  }
0x61: {  	[hbm4b:s5+s3] =	stream.linear.scatter [tilespmem:s13], [sflag:$0x5], $0x6400, $0x38;
	[tilespmem:$0x1F400] =	vst v63  }
0x62: {  	_ =	swait.ge [sflag:s20], $0x6400  }
0x63: {  	[sflag:s20] =	ssyncset.done $0x0  }
0x64: {  	[sflag:s20] =	ssyncadd.s32 $0xFFFF9C00  }
0x65: {  	[hbm4b:s6+s3] =	stream.linear.scatter [tilespmem:s14], [sflag:$0x6], $0x6400, $0x38;
	[tilespmem:$0x1F400] =	vst v63  }
0x66: {  	_ =	swait.ge [sflag:s21], $0x6400  }
0x67: {  	[sflag:s21] =	ssyncset.done $0x0  }
0x68: {  	[sflag:s21] =	ssyncadd.s32 $0xFFFF9C00  }
0x69: {  	[hbm4b:s7+s3] =	stream.linear.scatter [tilespmem:s16], [sflag:$0x7], $0x6400, $0x38;
	[tilespmem:$0x1F400] =	vst v63  }
0x6a: {  	_ =	swait.ge [sflag:s22], $0x6400  }
0x6b: {  	[sflag:s22] =	ssyncset.done $0x0  }
0x6c: {  	[sflag:s22] =	ssyncadd.s32 $0xFFFF9C00  }
0x6d: {  	[hbm4b:s8+s3] =	stream.linear.scatter [tilespmem:s18], [sflag:$0x8], $0x6400, $0x38;
	[tilespmem:$0x1F400] =	vst v63  }
0x6e: {  	_ =	swait.ge [sflag:s23], $0x6400  }
0x6f: {  	[sflag:s23] =	ssyncset.done $0x0  }
0x70: {  	[sflag:s23] =	ssyncadd.s32 $0xFFFF9C00  }
0x71: {  	_ =	swait.ge [sflag:s24], $0x6400  }
0x72: {  	[sflag:s24] =	ssyncset.done $0x0  }
0x73: {  	s28 =	sadd.s32 $0x1, s28;
	[sflag:s24] =	ssyncadd.s32 $0xFFFF9C00  }
0x74: {  	p0 =	sne.s32 s28, s9;
	_ =	swait.ge [sflag:s25], $0x6400  }
.Ltmp1:
0x75: {  	[sflag:s25] =	ssyncset.done $0x0;
	(pc) =	sbr.rel @p0 .LBB2_1-.Ltmp1, $4  }
0x76: {  	[sflag:s25] =	ssyncadd.s32 $0xFFFF9C00  }
0x77: {  	_ =	swait.ge [sflag:s26], $0x6400  }
0x78: {  	[sflag:s26] =	ssyncset.done $0x0  }
0x79: {  	[sflag:s26] =	ssyncadd.s32 $0xFFFF9C00  }
0x7a: {  	_ =	sfence.sel $0x180000  }
0x7b: {  	[bflag:$0x0] =	sbarrier.arrive $0xFFFF  }
0x7c: {  	_ =	strace $0x90000047  }
0x7d: {  	[bflag:$0x2] =	sbarrier.arrive $0xFFFF  }
0x7e: {  	p0 =	sne.s32 s0, $0x0;
	s0 =	rddreg [dreg:$0x3]  }
0x7f: {  	s0 =	sadd.s32 @!p0 $0x100000, s0  }
0x80: {  	[sflag:s0] =	ssyncadd.tile.s32 @!p0 $0x1;
	_ =	shalt  }
.Lfunc_end2:
_tile_overlayer_lowered:
.L_overlay_start_2:
0x81: {  	(tag) =	ssettag $0x2  }
0x82: {  	s0 =	rddreg [dreg:$0x0];
	s2 =	stileid.u32  }
0x83: {  	s1 =	rddreg [dreg:$0x1];
	p0 =	sne.s32 s2, $0x0  }
0x84: {  	s3 =	rddreg [dreg:$0x2];
	[bflag:$0x3] =	sbarrier.arrive $0xFFFF;
	s2 =	simm.s32 @!p0 $0x1C09  }
0x85: {  	[timem:s3], [sflag:s2] =	dma.local @!p0 [hbm:s0], s1  }
0x86: {  	s0 =	simm.s32 @!p0 $0x9  }
0x87: {  	_ =	swait.ge @!p0 [sflag:s0], s1  }
0x88: {  	s1 =	ssub.s32 @!p0 $0x0, s1;
	[sflag:s0] =	ssyncset.done @!p0 $0x0  }
0x89: {  	[sflag:s0] =	ssyncadd.s32 @!p0 s1  }
0x8a: {  	[bflag:$0x3] =	sbarrier.arrive $0xFFFF  }
0x8b: {  	_ =	shalt  }

</sc_bundles>
